<compile_context>
chip_gen: v7x
topology: tpu7x:2x2x1
jax: 0.10.2.dev20260603
libtpu: 0.0.44.dev20260713+nightly
codegen_flags: <defaults>
</compile_context>

<pallas_src>
import functools

import jax
import jax.numpy as jnp
from jax import lax
from jax.experimental import pallas as pl
from jax.experimental.pallas import tpu as pltpu
from jax.experimental.pallas import tpu_sc as plsc

NUM_CORES = 2
NUM_SUBCORES = 16
LANES = 16

NUM_USERS = 1000000
NUM_ITEMS = 100000
NUM_USERS_PAD = 1000064
NUM_ITEMS_PAD = 100096
BATCH = 16384
EMBED = 64

B_PER_S = BATCH // NUM_SUBCORES
CHUNK = 128
N_CHUNKS = B_PER_S // CHUNK
D_PER_C = EMBED // NUM_CORES
GROUPS = B_PER_S // LANES
ROW_PART = 62464
ROW_COVER = 16 * ROW_PART + 512
TAIL = NUM_USERS - ROW_COVER


def _mf_body(uT, tail_hbm, i_tab, ub_tab, ib_tab, u_idx_hbm, i_idx_hbm,
             i_row_hbm, mean_hbm, out_hbm,
             u_idx_v, i_idx_v, i_row_v, ubrow_v, ibrow_v,
             u_gidx_v, ufac_v, i_val, chunk_buf,
             acc_v, uval_v, mean_v, out_t, tail_v, row_s, sem):
    cid = lax.axis_index("c")
    sid = lax.axis_index("s")

    pltpu.sync_copy(u_idx_hbm.at[sid], u_idx_v)
    pltpu.sync_copy(i_idx_hbm.at[sid], i_idx_v)
    pltpu.sync_copy(i_row_hbm.at[sid], i_row_v)
    pltpu.sync_copy(mean_hbm, mean_v)

    def zero(g, carry):
        sl = pl.ds(g * LANES, LANES)
        acc_v[sl] = jnp.zeros((LANES,), jnp.float32)
        u = u_idx_v[sl]
        i = i_idx_v[sl]
        ubrow_v[sl] = lax.shift_right_logical(u, 7)
        ibrow_v[sl] = lax.shift_right_logical(i, 7)
        intail = u >= ROW_COVER
        u_gidx_v[sl] = jnp.where(intail, 0, u)
        ufac_v[sl] = jnp.where(intail, 0.0, 1.0)
        return carry
    lax.fori_loop(0, GROUPS, zero, 0)

    dim_base = cid * D_PER_C

    def item_chunk(cc, carry):
        pltpu.async_copy(i_tab.at[i_row_v.at[pl.ds(cc * CHUNK, CHUNK)]],
                         chunk_buf, sem).wait()

        def dloop(d, carry2):
            def gloop(g, carry3):
                row = g * LANES + lax.iota(jnp.int32, LANES)
                ii = i_idx_v[pl.ds(cc * CHUNK + g * LANES, LANES)]
                col = (jnp.bitwise_and(ii, 1) << 6) + dim_base + d
                i_val[pl.ds(d * B_PER_S + cc * CHUNK + g * LANES, LANES)] = (
                    plsc.load_gather(chunk_buf, [row, col]))
                return carry3
            return lax.fori_loop(0, CHUNK // LANES, gloop, carry2)

        return lax.fori_loop(0, D_PER_C, dloop, carry)

    lax.fori_loop(0, N_CHUNKS, item_chunk, 0)

    def dim(c, carry):
        row = uT.at[dim_base + c]

        stage_copies = []
        for q in range(4):
            sl = pl.ds(sid * ROW_PART + q * (ROW_PART // 4), ROW_PART // 4)
            stage_copies.append(pltpu.async_copy(row.at[sl], row_s.at[sl], sem))

        @pl.when(sid == 0)
        def _stage_tail():
            tl = pl.ds(16 * ROW_PART, 512)
            pltpu.sync_copy(row.at[tl], row_s.at[tl])

        for cp in stage_copies:
            cp.wait()

        plsc.subcore_barrier()

        copies = [pltpu.async_copy(
            row_s.at[u_gidx_v.at[pl.ds(cc * CHUNK, CHUNK)]],
            uval_v.at[pl.ds(cc * CHUNK, CHUNK)], sem) for cc in range(N_CHUNKS)]
        for cp in copies:
            cp.wait()

        def gloop(g, carry2):
            sl = pl.ds(g * LANES, LANES)
            acc_v[sl] = acc_v[sl] + (uval_v[sl] * ufac_v[sl]
                                     * i_val[pl.ds(c * B_PER_S + g * LANES,
                                                   LANES)])
            return carry2
        lax.fori_loop(0, GROUPS, gloop, 0)
        plsc.subcore_barrier()
        return carry

    lax.fori_loop(0, D_PER_C, dim, 0)

    def count_tail(g, a):
        return a + jnp.sum(1.0 - ufac_v[pl.ds(g * LANES, LANES)])
    tail_cnt = lax.fori_loop(0, GROUPS, count_tail, 0.0)

    pltpu.sync_copy(tail_hbm, tail_v)

    @pl.when(tail_cnt > 0.0)
    def _tailfix():
        def tgroup(g, carry):
            sl = pl.ds(g * LANES, LANES)
            w = 1.0 - ufac_v[sl]
            col = jnp.maximum(u_idx_v[sl] - ROW_COVER, 0)

            def tdim(d, carry2):
                widx = col + (dim_base + d) * TAIL
                tv = plsc.load_gather(tail_v, [widx])
                acc_v[sl] = acc_v[sl] + w * tv * i_val[
                    pl.ds(d * B_PER_S + g * LANES, LANES)]
                return carry2
            return lax.fori_loop(0, D_PER_C, tdim, carry)
        lax.fori_loop(0, GROUPS, tgroup, 0)

    def bias_pass(tab, row_ref, col_ref):
        def bias_chunk(cc, carry):
            pltpu.async_copy(
                tab.at[row_ref.at[pl.ds(cc * CHUNK, CHUNK)]],
                chunk_buf, sem).wait()

            def badd(g, carry2):
                row = g * LANES + lax.iota(jnp.int32, LANES)
                fsl = pl.ds(cc * CHUNK + g * LANES, LANES)
                col = jnp.bitwise_and(col_ref[fsl], CHUNK - 1)
                acc_v[fsl] = acc_v[fsl] + plsc.load_gather(
                    chunk_buf, [row, col])
                return carry2
            return lax.fori_loop(0, CHUNK // LANES, badd, carry)

        lax.fori_loop(0, N_CHUNKS, bias_chunk, 0)

    @pl.when(cid == 0)
    def _user_bias():
        bias_pass(ub_tab, ubrow_v, u_idx_v)
        mean_vec = mean_v[...]

        def madd(g, carry):
            sl = pl.ds(g * LANES, LANES)
            acc_v[sl] = acc_v[sl] + mean_vec
            return carry
        lax.fori_loop(0, GROUPS, madd, 0)

    @pl.when(cid == 1)
    def _item_bias():
        bias_pass(ib_tab, ibrow_v, i_idx_v)

    for r in range(N_CHUNKS):
        def wloop(g, carry, r=r):
            out_t[r, pl.ds(g * LANES, LANES)] = (
                acc_v[pl.ds(r * CHUNK + g * LANES, LANES)])
            return carry
        lax.fori_loop(0, CHUNK // LANES, wloop, 0)

    pltpu.sync_copy(
        out_t, out_hbm.at[pl.ds((cid * NUM_SUBCORES + sid) * N_CHUNKS,
                                N_CHUNKS)])


@jax.jit
def _mf_sc(uT, tail_tab, i_tab, ub_tab, ib_tab, u_idx, i_idx, i_row, mean):
    mesh = plsc.VectorSubcoreMesh(core_axis_name="c", subcore_axis_name="s",
                                  num_cores=NUM_CORES, num_subcores=NUM_SUBCORES)
    run = functools.partial(
        pl.kernel,
        out_type=jax.ShapeDtypeStruct(
            (NUM_CORES * NUM_SUBCORES * N_CHUNKS, CHUNK), jnp.float32),
        mesh=mesh,
        scratch_types=[
            pltpu.VMEM((B_PER_S,), jnp.int32),
            pltpu.VMEM((B_PER_S,), jnp.int32),
            pltpu.VMEM((B_PER_S,), jnp.int32),
            pltpu.VMEM((B_PER_S,), jnp.int32),
            pltpu.VMEM((B_PER_S,), jnp.int32),
            pltpu.VMEM((B_PER_S,), jnp.int32),
            pltpu.VMEM((B_PER_S,), jnp.float32),
            pltpu.VMEM((D_PER_C * B_PER_S,), jnp.float32),
            pltpu.VMEM((CHUNK, CHUNK), jnp.float32),
            pltpu.VMEM((B_PER_S,), jnp.float32),
            pltpu.VMEM((B_PER_S,), jnp.float32),
            pltpu.VMEM((LANES,), jnp.float32),
            pltpu.VMEM((N_CHUNKS, CHUNK), jnp.float32),
            pltpu.VMEM((EMBED * TAIL,), jnp.float32),
            pltpu.VMEM_SHARED((ROW_COVER,), jnp.float32),
            pltpu.SemaphoreType.DMA,
        ],
        compiler_params=pltpu.CompilerParams(needs_layout_passes=False,
                                             use_tc_tiling_on_sc=True),
    )(_mf_body)
    return run(uT, tail_tab, i_tab, ub_tab, ib_tab, u_idx, i_idx, i_row, mean)


def kernel(u_id, i_id, user_emb, user_bias, item_emb, item_bias, mean):
    u32 = u_id.astype(jnp.int32)
    i32 = i_id.astype(jnp.int32)
    u_idx = u32.reshape(NUM_SUBCORES, B_PER_S)
    i_idx = i32.reshape(NUM_SUBCORES, B_PER_S)
    i_row = (i32 >> 1).reshape(NUM_SUBCORES, B_PER_S)
    uT = user_emb.T
    tail_tab = user_emb[NUM_USERS - TAIL:].T.reshape(-1)
    i_tab = item_emb.reshape(-1, CHUNK)
    ub_tab = jnp.pad(user_bias.reshape(-1),
                     (0, NUM_USERS_PAD - NUM_USERS)).reshape(-1, CHUNK)
    ib_tab = jnp.pad(item_bias.reshape(-1),
                     (0, NUM_ITEMS_PAD - NUM_ITEMS)).reshape(-1, CHUNK)
    mean16 = jnp.broadcast_to(mean.astype(jnp.float32).reshape(1), (LANES,))
    out = _mf_sc(uT, tail_tab, i_tab, ub_tab, ib_tab, u_idx, i_idx, i_row,
                 mean16)
    part = out.reshape(NUM_CORES, BATCH)
    return part[0] + part[1]

# --- scband reference (transcript-rebuilt; emitter-appended) ---
"""Pipeline reference for scband-mf-ips-67284957659724 (READ-ONLY COPY).

The authoritative reference and input builder live on the scoring server;
editing this copy changes nothing except your own understanding.
"""

import jax, jax.numpy as jnp
import numpy as np

NUM_USERS = 1000000
NUM_ITEMS = 100000
EMBED = 64
BATCH = 16384


def setup_inputs(seed: int = 0) -> dict:
    key = jax.random.key(seed)
    k1, k2, k3, k4, k5, k6 = jax.random.split(key, 6)
    u_id = jax.random.randint(k1, (BATCH,), 0, NUM_USERS, dtype=jnp.int64 if jax.config.jax_enable_x64 else jnp.int32)
    i_id = jax.random.randint(k2, (BATCH,), 0, NUM_ITEMS, dtype=jnp.int64 if jax.config.jax_enable_x64 else jnp.int32)
    user_emb = jax.random.uniform(k3, (NUM_USERS, EMBED), minval=-0.01, maxval=0.01, dtype=jnp.float32)
    user_bias = jax.random.uniform(k4, (NUM_USERS, 1), minval=-0.01, maxval=0.01, dtype=jnp.float32)
    item_emb = jax.random.uniform(k5, (NUM_ITEMS, EMBED), minval=-0.01, maxval=0.01, dtype=jnp.float32)
    item_bias = jax.random.uniform(k6, (NUM_ITEMS, 1), minval=-0.01, maxval=0.01, dtype=jnp.float32)
    mean = jnp.zeros((1,), dtype=jnp.float32)
    return {
        "u_id": u_id,
        "i_id": i_id,
        "user_emb": user_emb,
        "user_bias": user_bias,
        "item_emb": item_emb,
        "item_bias": item_bias,
        "mean": mean,
    }


def reference(u_id, i_id, user_emb, user_bias, item_emb, item_bias, mean):
    # dropout=0 -> identity
    U = jnp.take(user_emb, u_id, axis=0)
    b_u = jnp.take(user_bias, u_id, axis=0).squeeze(-1)
    I = jnp.take(item_emb, i_id, axis=0)
    b_i = jnp.take(item_bias, i_id, axis=0).squeeze(-1)
    return (U * I).sum(axis=1) + b_u + b_i + mean

if __name__ == "__main__":
    import jax
    _d = setup_inputs()
    print(jax.jit(kernel)(*tuple(_d.values())))

</pallas_src>

<mosaic_0001>
#map = affine_map<(d0, d1) -> (0, 0)>
#map1 = affine_map<(d0, d1) -> (0)>
module attributes {stable_mosaic.version = 14 : i64} {
  func.func @_mf_body(%arg0: i32, %arg1: i32, %arg2: memref<64x1000000xf32, #tpu.memory_space<hbm>>, %arg3: memref<4096xf32, #tpu.memory_space<hbm>>, %arg4: memref<50000x128xf32, #tpu.memory_space<hbm>>, %arg5: memref<7813x128xf32, #tpu.memory_space<hbm>>, %arg6: memref<782x128xf32, #tpu.memory_space<hbm>>, %arg7: memref<16x1024xi32, #tpu.memory_space<hbm>>, %arg8: memref<16x1024xi32, #tpu.memory_space<hbm>>, %arg9: memref<16x1024xi32, #tpu.memory_space<hbm>>, %arg10: memref<16xf32, #tpu.memory_space<hbm>>, %arg11: memref<256x128xf32, #tpu.memory_space<hbm>>, %arg12: memref<1024xi32, #tpu.memory_space<vmem>>, %arg13: memref<1024xi32, #tpu.memory_space<vmem>>, %arg14: memref<1024xi32, #tpu.memory_space<vmem>>, %arg15: memref<1024xi32, #tpu.memory_space<vmem>>, %arg16: memref<1024xi32, #tpu.memory_space<vmem>>, %arg17: memref<1024xi32, #tpu.memory_space<vmem>>, %arg18: memref<1024xf32, #tpu.memory_space<vmem>>, %arg19: memref<32768xf32, #tpu.memory_space<vmem>>, %arg20: memref<128x128xf32, #tpu.memory_space<vmem>>, %arg21: memref<1024xf32, #tpu.memory_space<vmem>>, %arg22: memref<1024xf32, #tpu.memory_space<vmem>>, %arg23: memref<16xf32, #tpu.memory_space<vmem>>, %arg24: memref<8x128xf32, #tpu.memory_space<vmem>>, %arg25: memref<4096xf32, #tpu.memory_space<vmem>>, %arg26: memref<999936xf32, #tpu.memory_space<vmem_shared>>, %arg27: memref<!tpu.dma_semaphore, #tpu.memory_space<semaphore_mem>>) attributes {dimension_semantics = [#tpu.dimension_semantics<core_parallel>, #tpu.dimension_semantics<subcore_parallel>], iteration_bounds = array<i64: 2, 16>, scalar_prefetch = 0 : i64, scratch_operands = 16 : i64, tpu.core_type = #tpu.core_type<sc_vector_subcore>, window_params = [{transform_indices = #map}, {transform_indices = #map1}, {transform_indices = #map}, {transform_indices = #map}, {transform_indices = #map}, {transform_indices = #map}, {transform_indices = #map}, {transform_indices = #map}, {transform_indices = #map1}, {transform_indices = #map}]} {
    "tpu.region"() ({
      %run_scoped3A = tpu.sem_alloc : memref<!tpu.dma_semaphore, #tpu.memory_space<semaphore_mem>>
      %dma_start3A = arith.constant 0 : i32
      %dma_start3A_88 = tpu.memref_slice %arg7[%arg1, %dma_start3A] : memref<16x1024xi32, #tpu.memory_space<hbm>> -> memref<1x1024xi32, #tpu.memory_space<hbm>>
      %dma_start3A_89 = tpu.memref_squeeze %dma_start3A_88 : memref<1x1024xi32, #tpu.memory_space<hbm>> -> memref<1024xi32, #tpu.memory_space<hbm>>
      %dma_start3A_90 = arith.constant 0 : i32
      %dma_start3A_91 = tpu.memref_slice %arg7[%arg1, %dma_start3A_90] : memref<16x1024xi32, #tpu.memory_space<hbm>> -> memref<1x1024xi32, #tpu.memory_space<hbm>>
      %dma_start3A_92 = tpu.memref_squeeze %dma_start3A_91 : memref<1x1024xi32, #tpu.memory_space<hbm>> -> memref<1024xi32, #tpu.memory_space<hbm>>
      tpu.enqueue_dma source(%dma_start3A_92 : memref<1024xi32, #tpu.memory_space<hbm>>) target(%arg12 : memref<1024xi32, #tpu.memory_space<vmem>>) target_semaphore(%run_scoped3A : memref<!tpu.dma_semaphore, #tpu.memory_space<semaphore_mem>>)
      %dma_wait3A = arith.constant 0 : i32
      %dma_wait3A_93 = tpu.memref_slice %arg7[%arg1, %dma_wait3A] : memref<16x1024xi32, #tpu.memory_space<hbm>> -> memref<1x1024xi32, #tpu.memory_space<hbm>>
      %dma_wait3A_94 = tpu.memref_squeeze %dma_wait3A_93 : memref<1x1024xi32, #tpu.memory_space<hbm>> -> memref<1024xi32, #tpu.memory_space<hbm>>
      %dma_wait3A_95 = arith.constant 0 : i32
      %dma_wait3A_96 = tpu.memref_slice %arg7[%arg1, %dma_wait3A_95] : memref<16x1024xi32, #tpu.memory_space<hbm>> -> memref<1x1024xi32, #tpu.memory_space<hbm>>
      %dma_wait3A_97 = tpu.memref_squeeze %dma_wait3A_96 : memref<1x1024xi32, #tpu.memory_space<hbm>> -> memref<1024xi32, #tpu.memory_space<hbm>>
      tpu.wait_dma2 semaphore(%run_scoped3A : memref<!tpu.dma_semaphore, #tpu.memory_space<semaphore_mem>>) src(%dma_wait3A_97 : memref<1024xi32, #tpu.memory_space<hbm>>) dst(%arg12 : memref<1024xi32, #tpu.memory_space<vmem>>)
      tpu.yield
    }) : () -> ()
    "tpu.region"() ({
      %run_scoped3A = tpu.sem_alloc : memref<!tpu.dma_semaphore, #tpu.memory_space<semaphore_mem>>
      %dma_start3A = arith.constant 0 : i32
      %dma_start3A_88 = tpu.memref_slice %arg8[%arg1, %dma_start3A] : memref<16x1024xi32, #tpu.memory_space<hbm>> -> memref<1x1024xi32, #tpu.memory_space<hbm>>
      %dma_start3A_89 = tpu.memref_squeeze %dma_start3A_88 : memref<1x1024xi32, #tpu.memory_space<hbm>> -> memref<1024xi32, #tpu.memory_space<hbm>>
      %dma_start3A_90 = arith.constant 0 : i32
      %dma_start3A_91 = tpu.memref_slice %arg8[%arg1, %dma_start3A_90] : memref<16x1024xi32, #tpu.memory_space<hbm>> -> memref<1x1024xi32, #tpu.memory_space<hbm>>
      %dma_start3A_92 = tpu.memref_squeeze %dma_start3A_91 : memref<1x1024xi32, #tpu.memory_space<hbm>> -> memref<1024xi32, #tpu.memory_space<hbm>>
      tpu.enqueue_dma source(%dma_start3A_92 : memref<1024xi32, #tpu.memory_space<hbm>>) target(%arg13 : memref<1024xi32, #tpu.memory_space<vmem>>) target_semaphore(%run_scoped3A : memref<!tpu.dma_semaphore, #tpu.memory_space<semaphore_mem>>)
      %dma_wait3A = arith.constant 0 : i32
      %dma_wait3A_93 = tpu.memref_slice %arg8[%arg1, %dma_wait3A] : memref<16x1024xi32, #tpu.memory_space<hbm>> -> memref<1x1024xi32, #tpu.memory_space<hbm>>
      %dma_wait3A_94 = tpu.memref_squeeze %dma_wait3A_93 : memref<1x1024xi32, #tpu.memory_space<hbm>> -> memref<1024xi32, #tpu.memory_space<hbm>>
      %dma_wait3A_95 = arith.constant 0 : i32
      %dma_wait3A_96 = tpu.memref_slice %arg8[%arg1, %dma_wait3A_95] : memref<16x1024xi32, #tpu.memory_space<hbm>> -> memref<1x1024xi32, #tpu.memory_space<hbm>>
      %dma_wait3A_97 = tpu.memref_squeeze %dma_wait3A_96 : memref<1x1024xi32, #tpu.memory_space<hbm>> -> memref<1024xi32, #tpu.memory_space<hbm>>
      tpu.wait_dma2 semaphore(%run_scoped3A : memref<!tpu.dma_semaphore, #tpu.memory_space<semaphore_mem>>) src(%dma_wait3A_97 : memref<1024xi32, #tpu.memory_space<hbm>>) dst(%arg13 : memref<1024xi32, #tpu.memory_space<vmem>>)
      tpu.yield
    }) : () -> ()
    "tpu.region"() ({
      %run_scoped3A = tpu.sem_alloc : memref<!tpu.dma_semaphore, #tpu.memory_space<semaphore_mem>>
      %dma_start3A = arith.constant 0 : i32
      %dma_start3A_88 = tpu.memref_slice %arg9[%arg1, %dma_start3A] : memref<16x1024xi32, #tpu.memory_space<hbm>> -> memref<1x1024xi32, #tpu.memory_space<hbm>>
      %dma_start3A_89 = tpu.memref_squeeze %dma_start3A_88 : memref<1x1024xi32, #tpu.memory_space<hbm>> -> memref<1024xi32, #tpu.memory_space<hbm>>
      %dma_start3A_90 = arith.constant 0 : i32
      %dma_start3A_91 = tpu.memref_slice %arg9[%arg1, %dma_start3A_90] : memref<16x1024xi32, #tpu.memory_space<hbm>> -> memref<1x1024xi32, #tpu.memory_space<hbm>>
      %dma_start3A_92 = tpu.memref_squeeze %dma_start3A_91 : memref<1x1024xi32, #tpu.memory_space<hbm>> -> memref<1024xi32, #tpu.memory_space<hbm>>
      tpu.enqueue_dma source(%dma_start3A_92 : memref<1024xi32, #tpu.memory_space<hbm>>) target(%arg14 : memref<1024xi32, #tpu.memory_space<vmem>>) target_semaphore(%run_scoped3A : memref<!tpu.dma_semaphore, #tpu.memory_space<semaphore_mem>>)
      %dma_wait3A = arith.constant 0 : i32
      %dma_wait3A_93 = tpu.memref_slice %arg9[%arg1, %dma_wait3A] : memref<16x1024xi32, #tpu.memory_space<hbm>> -> memref<1x1024xi32, #tpu.memory_space<hbm>>
      %dma_wait3A_94 = tpu.memref_squeeze %dma_wait3A_93 : memref<1x1024xi32, #tpu.memory_space<hbm>> -> memref<1024xi32, #tpu.memory_space<hbm>>
      %dma_wait3A_95 = arith.constant 0 : i32
      %dma_wait3A_96 = tpu.memref_slice %arg9[%arg1, %dma_wait3A_95] : memref<16x1024xi32, #tpu.memory_space<hbm>> -> memref<1x1024xi32, #tpu.memory_space<hbm>>
      %dma_wait3A_97 = tpu.memref_squeeze %dma_wait3A_96 : memref<1x1024xi32, #tpu.memory_space<hbm>> -> memref<1024xi32, #tpu.memory_space<hbm>>
      tpu.wait_dma2 semaphore(%run_scoped3A : memref<!tpu.dma_semaphore, #tpu.memory_space<semaphore_mem>>) src(%dma_wait3A_97 : memref<1024xi32, #tpu.memory_space<hbm>>) dst(%arg14 : memref<1024xi32, #tpu.memory_space<vmem>>)
      tpu.yield
    }) : () -> ()
    "tpu.region"() ({
      %run_scoped3A = tpu.sem_alloc : memref<!tpu.dma_semaphore, #tpu.memory_space<semaphore_mem>>
      tpu.enqueue_dma source(%arg10 : memref<16xf32, #tpu.memory_space<hbm>>) target(%arg23 : memref<16xf32, #tpu.memory_space<vmem>>) target_semaphore(%run_scoped3A : memref<!tpu.dma_semaphore, #tpu.memory_space<semaphore_mem>>)
      tpu.wait_dma2 semaphore(%run_scoped3A : memref<!tpu.dma_semaphore, #tpu.memory_space<semaphore_mem>>) src(%arg10 : memref<16xf32, #tpu.memory_space<hbm>>) dst(%arg23 : memref<16xf32, #tpu.memory_space<vmem>>)
      tpu.yield
    }) : () -> ()
    %scan3A = arith.constant 0 : i32
    %scan3A_0 = arith.constant 0 : i32
    %scan3A_1 = arith.constant 64 : i32
    %scan3A_2 = arith.addi %scan3A_0, %scan3A_1 : i32
    %scan3A_3 = arith.constant 1 : i32
    scf.for %scan3A_88 = %scan3A_0 to %scan3A_2 step %scan3A_3  : i32 {
      %mul3A_89 = arith.constant 16 : i32
      %mul3A_90 = arith.muli %scan3A_88, %mul3A_89 : i32
      %broadcast_in_dim3A = arith.constant 0.000000e+00 : f32
      %broadcast_in_dim3A_91 = vector.broadcast %broadcast_in_dim3A : f32 to vector<16xf32>
      %swap3A = arith.index_cast %mul3A_90 : i32 to index
      %swap3A_92 = tpu.vector_load %arg21[%swap3A] {strides = array<i32>} : memref<1024xf32, #tpu.memory_space<vmem>>, vector<16xf32>,
      tpu.vector_store %arg21[%swap3A], %broadcast_in_dim3A_91 {strides = array<i32>} : memref<1024xf32, #tpu.memory_space<vmem>>, vector<16xf32>,
      %get3A = arith.index_cast %mul3A_90 : i32 to index
      %get3A_93 = tpu.vector_load %arg12[%get3A] {strides = array<i32>} : memref<1024xi32, #tpu.memory_space<vmem>>, vector<16xi32>,
      %get3A_94 = arith.index_cast %mul3A_90 : i32 to index
      %get3A_95 = tpu.vector_load %arg13[%get3A_94] {strides = array<i32>} : memref<1024xi32, #tpu.memory_space<vmem>>, vector<16xi32>,
      %shift_right_logical3A = arith.constant 7 : i32
      %shift_right_logical3A_96 = vector.broadcast %shift_right_logical3A : i32 to vector<16xi32>
      %shift_right_logical3A_97 = arith.shrui %get3A_93, %shift_right_logical3A_96 : vector<16xi32>
      %swap3A_98 = arith.index_cast %mul3A_90 : i32 to index
      %swap3A_99 = tpu.vector_load %arg15[%swap3A_98] {strides = array<i32>} : memref<1024xi32, #tpu.memory_space<vmem>>, vector<16xi32>,
      tpu.vector_store %arg15[%swap3A_98], %shift_right_logical3A_97 {strides = array<i32>} : memref<1024xi32, #tpu.memory_space<vmem>>, vector<16xi32>,
      %shift_right_logical3A_100 = arith.constant 7 : i32
      %shift_right_logical3A_101 = vector.broadcast %shift_right_logical3A_100 : i32 to vector<16xi32>
      %shift_right_logical3A_102 = arith.shrui %get3A_95, %shift_right_logical3A_101 : vector<16xi32>
      %swap3A_103 = arith.index_cast %mul3A_90 : i32 to index
      %swap3A_104 = tpu.vector_load %arg16[%swap3A_103] {strides = array<i32>} : memref<1024xi32, #tpu.memory_space<vmem>>, vector<16xi32>,
      tpu.vector_store %arg16[%swap3A_103], %shift_right_logical3A_102 {strides = array<i32>} : memref<1024xi32, #tpu.memory_space<vmem>>, vector<16xi32>,
      %ge3A = arith.constant 999936 : i32
      %ge3A_105 = vector.broadcast %ge3A : i32 to vector<16xi32>
      %ge3A_106 = arith.cmpi sge, %get3A_93, %ge3A_105 : vector<16xi32>
      %jit3A = arith.constant 0 : i32
      %broadcast_in_dim3A_107 = vector.broadcast %jit3A : i32 to vector<16xi32>
      %select_n3A = arith.select %ge3A_106, %broadcast_in_dim3A_107, %get3A_93 : vector<16xi1>, vector<16xi32>
      %swap3A_108 = arith.index_cast %mul3A_90 : i32 to index
      %swap3A_109 = tpu.vector_load %arg17[%swap3A_108] {strides = array<i32>} : memref<1024xi32, #tpu.memory_space<vmem>>, vector<16xi32>,
      tpu.vector_store %arg17[%swap3A_108], %select_n3A {strides = array<i32>} : memref<1024xi32, #tpu.memory_space<vmem>>, vector<16xi32>,
      %jit3A_110 = arith.constant 0.000000e+00 : f32
      %jit3A_111 = arith.constant 1.000000e+00 : f32
      %broadcast_in_dim3A_112 = vector.broadcast %jit3A_110 : f32 to vector<16xf32>
      %broadcast_in_dim3A_113 = vector.broadcast %jit3A_111 : f32 to vector<16xf32>
      %select_n3A_114 = arith.select %ge3A_106, %broadcast_in_dim3A_112, %broadcast_in_dim3A_113 : vector<16xi1>, vector<16xf32>
      %swap3A_115 = arith.index_cast %mul3A_90 : i32 to index
      %swap3A_116 = tpu.vector_load %arg18[%swap3A_115] {strides = array<i32>} : memref<1024xf32, #tpu.memory_space<vmem>>, vector<16xf32>,
      tpu.vector_store %arg18[%swap3A_115], %select_n3A_114 {strides = array<i32>} : memref<1024xf32, #tpu.memory_space<vmem>>, vector<16xf32>,
    }
    %scan3A_4 = arith.constant 64 : i32
    %mul3A = arith.constant 32 : i32
    %mul3A_5 = arith.muli %arg0, %mul3A : i32
    %scan3A_6 = arith.constant 0 : i32
    %scan3A_7 = arith.constant 0 : i32
    %scan3A_8 = arith.constant 8 : i32
    %scan3A_9 = arith.addi %scan3A_7, %scan3A_8 : i32
    %scan3A_10 = arith.constant 1 : i32
    scf.for %scan3A_88 = %scan3A_7 to %scan3A_9 step %scan3A_10  : i32 {
      %mul3A_89 = arith.constant 128 : i32
      %mul3A_90 = arith.muli %scan3A_88, %mul3A_89 : i32
      %dma_start3A = tpu.memref_slice %arg14[%mul3A_90] : memref<1024xi32, #tpu.memory_space<vmem>> -> memref<128xi32, #tpu.memory_space<vmem>>
      %dma_start3A_91 = arith.constant 0 : i32
      %dma_start3A_92 = arith.constant 0 : i32
      %dma_start3A_93 = tpu.memref_slice %arg4[%dma_start3A_91, %dma_start3A_92] : memref<50000x128xf32, #tpu.memory_space<hbm>> -> memref<50000x128xf32, #tpu.memory_space<hbm>>
      tpu.enqueue_indirect_dma source(%dma_start3A_93 : memref<50000x128xf32, #tpu.memory_space<hbm>>) target(%arg20 : memref<128x128xf32, #tpu.memory_space<vmem>>) offsets(%dma_start3A : memref<128xi32, #tpu.memory_space<vmem>>) semaphore(%arg27 : memref<!tpu.dma_semaphore, #tpu.memory_space<semaphore_mem>>)
      %dma_wait3A = tpu.memref_slice %arg14[%mul3A_90] : memref<1024xi32, #tpu.memory_space<vmem>> -> memref<128xi32, #tpu.memory_space<vmem>>
      %dma_wait3A_94 = arith.constant 0 : i32
      %dma_wait3A_95 = arith.constant 0 : i32
      %dma_wait3A_96 = tpu.memref_slice %arg4[%dma_wait3A_94, %dma_wait3A_95] : memref<50000x128xf32, #tpu.memory_space<hbm>> -> memref<50000x128xf32, #tpu.memory_space<hbm>>
      tpu.wait_indirect_dma semaphore(%arg27 : memref<!tpu.dma_semaphore, #tpu.memory_space<semaphore_mem>>) src(%dma_wait3A_96 : memref<50000x128xf32, #tpu.memory_space<hbm>>) dst(%arg20 : memref<128x128xf32, #tpu.memory_space<vmem>>)
      %scan3A_97 = arith.constant 0 : i32
      %scan3A_98 = arith.constant 32 : i32
      %scan3A_99 = arith.addi %scan3A_97, %scan3A_98 : i32
      %scan3A_100 = arith.constant 1 : i32
      scf.for %scan3A_102 = %scan3A_97 to %scan3A_99 step %scan3A_100  : i32 {
        %scan3A_103 = arith.constant 0 : i32
        %scan3A_104 = arith.constant 8 : i32
        %scan3A_105 = arith.addi %scan3A_103, %scan3A_104 : i32
        %scan3A_106 = arith.constant 1 : i32
        scf.for %scan3A_108 = %scan3A_103 to %scan3A_105 step %scan3A_106  : i32 {
          %mul3A_109 = arith.constant 16 : i32
          %mul3A_110 = arith.muli %scan3A_108, %mul3A_109 : i32
          %iota3A = tpu.iota {dimensions = array<i32: 0>} : vector<16xi32>
          %add3A_111 = vector.broadcast %mul3A_110 : i32 to vector<16xi32>
          %add3A_112 = arith.addi %add3A_111, %iota3A : vector<16xi32>
          %mul3A_113 = arith.constant 128 : i32
          %mul3A_114 = arith.muli %scan3A_88, %mul3A_113 : i32
          %mul3A_115 = arith.constant 16 : i32
          %mul3A_116 = arith.muli %scan3A_108, %mul3A_115 : i32
          %add3A_117 = arith.addi %mul3A_114, %mul3A_116 : i32
          %get3A = arith.index_cast %add3A_117 : i32 to index
          %get3A_118 = tpu.vector_load %arg13[%get3A] {strides = array<i32>} : memref<1024xi32, #tpu.memory_space<vmem>>, vector<16xi32>,
          %and3A = arith.constant 1 : i32
          %and3A_119 = vector.broadcast %and3A : i32 to vector<16xi32>
          %and3A_120 = arith.andi %get3A_118, %and3A_119 : vector<16xi32>
          %shift_left3A = arith.constant 6 : i32
          %shift_left3A_121 = vector.broadcast %shift_left3A : i32 to vector<16xi32>
          %shift_left3A_122 = arith.shli %and3A_120, %shift_left3A_121 : vector<16xi32>
          %add3A_123 = vector.broadcast %mul3A_5 : i32 to vector<16xi32>
          %add3A_124 = arith.addi %shift_left3A_122, %add3A_123 : vector<16xi32>
          %add3A_125 = vector.broadcast %scan3A_102 : i32 to vector<16xi32>
          %add3A_126 = arith.addi %add3A_124, %add3A_125 : vector<16xi32>
          %gather3A = tpu.vector_load_idx %arg20[%add3A_112, %add3A_126] : memref<128x128xf32, #tpu.memory_space<vmem>>[vector<16xi32>, vector<16xi32>], vector<16xf32>,
          %mul3A_127 = arith.constant 1024 : i32
          %mul3A_128 = arith.muli %scan3A_102, %mul3A_127 : i32
          %mul3A_129 = arith.constant 128 : i32
          %mul3A_130 = arith.muli %scan3A_88, %mul3A_129 : i32
          %add3A_131 = arith.addi %mul3A_128, %mul3A_130 : i32
          %mul3A_132 = arith.constant 16 : i32
          %mul3A_133 = arith.muli %scan3A_108, %mul3A_132 : i32
          %add3A_134 = arith.addi %add3A_131, %mul3A_133 : i32
          %swap3A = arith.index_cast %add3A_134 : i32 to index
          %swap3A_135 = tpu.vector_load %arg19[%swap3A] {strides = array<i32>} : memref<32768xf32, #tpu.memory_space<vmem>>, vector<16xf32>,
          tpu.vector_store %arg19[%swap3A], %gather3A {strides = array<i32>} : memref<32768xf32, #tpu.memory_space<vmem>>, vector<16xf32>,
        }
        %scan3A_107 = arith.constant 8 : i32
      }
      %scan3A_101 = arith.constant 32 : i32
    }
    %scan3A_11 = arith.constant 8 : i32
    %scan3A_12 = arith.constant 0 : i32
    %scan3A_13 = arith.constant 0 : i32
    %scan3A_14 = arith.constant 32 : i32
    %scan3A_15 = arith.addi %scan3A_13, %scan3A_14 : i32
    %scan3A_16 = arith.constant 1 : i32
    scf.for %scan3A_88 = %scan3A_13 to %scan3A_15 step %scan3A_16  : i32 {
      %add3A_89 = arith.addi %mul3A_5, %scan3A_88 : i32
      %mul3A_90 = arith.constant 62464 : i32
      %mul3A_91 = arith.muli %arg1, %mul3A_90 : i32
      %add3A_92 = arith.constant 0 : i32
      %add3A_93 = arith.addi %mul3A_91, %add3A_92 : i32
      %dma_start3A = tpu.memref_slice %arg26[%add3A_93] : memref<999936xf32, #tpu.memory_space<vmem_shared>> -> memref<15616xf32, #tpu.memory_space<vmem_shared>>
      %dma_start3A_94 = arith.constant 0 : i32
      %dma_start3A_95 = tpu.memref_slice %arg2[%add3A_89, %dma_start3A_94] : memref<64x1000000xf32, #tpu.memory_space<hbm>> -> memref<1x1000000xf32, #tpu.memory_space<hbm>>
      %dma_start3A_96 = tpu.memref_squeeze %dma_start3A_95 : memref<1x1000000xf32, #tpu.memory_space<hbm>> -> memref<1000000xf32, #tpu.memory_space<hbm>>
      %dma_start3A_97 = tpu.memref_slice %dma_start3A_96[%add3A_93] : memref<1000000xf32, #tpu.memory_space<hbm>> -> memref<15616xf32, #tpu.memory_space<hbm>>
      tpu.enqueue_dma source(%dma_start3A_97 : memref<15616xf32, #tpu.memory_space<hbm>>) target(%dma_start3A : memref<15616xf32, #tpu.memory_space<vmem_shared>>) target_semaphore(%arg27 : memref<!tpu.dma_semaphore, #tpu.memory_space<semaphore_mem>>)
      %mul3A_98 = arith.constant 62464 : i32
      %mul3A_99 = arith.muli %arg1, %mul3A_98 : i32
      %add3A_100 = arith.constant 15616 : i32
      %add3A_101 = arith.addi %mul3A_99, %add3A_100 : i32
      %dma_start3A_102 = tpu.memref_slice %arg26[%add3A_101] : memref<999936xf32, #tpu.memory_space<vmem_shared>> -> memref<15616xf32, #tpu.memory_space<vmem_shared>>
      %dma_start3A_103 = arith.constant 0 : i32
      %dma_start3A_104 = tpu.memref_slice %arg2[%add3A_89, %dma_start3A_103] : memref<64x1000000xf32, #tpu.memory_space<hbm>> -> memref<1x1000000xf32, #tpu.memory_space<hbm>>
      %dma_start3A_105 = tpu.memref_squeeze %dma_start3A_104 : memref<1x1000000xf32, #tpu.memory_space<hbm>> -> memref<1000000xf32, #tpu.memory_space<hbm>>
      %dma_start3A_106 = tpu.memref_slice %dma_start3A_105[%add3A_101] : memref<1000000xf32, #tpu.memory_space<hbm>> -> memref<15616xf32, #tpu.memory_space<hbm>>
      tpu.enqueue_dma source(%dma_start3A_106 : memref<15616xf32, #tpu.memory_space<hbm>>) target(%dma_start3A_102 : memref<15616xf32, #tpu.memory_space<vmem_shared>>) target_semaphore(%arg27 : memref<!tpu.dma_semaphore, #tpu.memory_space<semaphore_mem>>)
      %mul3A_107 = arith.constant 62464 : i32
      %mul3A_108 = arith.muli %arg1, %mul3A_107 : i32
      %add3A_109 = arith.constant 31232 : i32
      %add3A_110 = arith.addi %mul3A_108, %add3A_109 : i32
      %dma_start3A_111 = tpu.memref_slice %arg26[%add3A_110] : memref<999936xf32, #tpu.memory_space<vmem_shared>> -> memref<15616xf32, #tpu.memory_space<vmem_shared>>
      %dma_start3A_112 = arith.constant 0 : i32
      %dma_start3A_113 = tpu.memref_slice %arg2[%add3A_89, %dma_start3A_112] : memref<64x1000000xf32, #tpu.memory_space<hbm>> -> memref<1x1000000xf32, #tpu.memory_space<hbm>>
      %dma_start3A_114 = tpu.memref_squeeze %dma_start3A_113 : memref<1x1000000xf32, #tpu.memory_space<hbm>> -> memref<1000000xf32, #tpu.memory_space<hbm>>
      %dma_start3A_115 = tpu.memref_slice %dma_start3A_114[%add3A_110] : memref<1000000xf32, #tpu.memory_space<hbm>> -> memref<15616xf32, #tpu.memory_space<hbm>>
      tpu.enqueue_dma source(%dma_start3A_115 : memref<15616xf32, #tpu.memory_space<hbm>>) target(%dma_start3A_111 : memref<15616xf32, #tpu.memory_space<vmem_shared>>) target_semaphore(%arg27 : memref<!tpu.dma_semaphore, #tpu.memory_space<semaphore_mem>>)
      %mul3A_116 = arith.constant 62464 : i32
      %mul3A_117 = arith.muli %arg1, %mul3A_116 : i32
      %add3A_118 = arith.constant 46848 : i32
      %add3A_119 = arith.addi %mul3A_117, %add3A_118 : i32
      %dma_start3A_120 = tpu.memref_slice %arg26[%add3A_119] : memref<999936xf32, #tpu.memory_space<vmem_shared>> -> memref<15616xf32, #tpu.memory_space<vmem_shared>>
      %dma_start3A_121 = arith.constant 0 : i32
      %dma_start3A_122 = tpu.memref_slice %arg2[%add3A_89, %dma_start3A_121] : memref<64x1000000xf32, #tpu.memory_space<hbm>> -> memref<1x1000000xf32, #tpu.memory_space<hbm>>
      %dma_start3A_123 = tpu.memref_squeeze %dma_start3A_122 : memref<1x1000000xf32, #tpu.memory_space<hbm>> -> memref<1000000xf32, #tpu.memory_space<hbm>>
      %dma_start3A_124 = tpu.memref_slice %dma_start3A_123[%add3A_119] : memref<1000000xf32, #tpu.memory_space<hbm>> -> memref<15616xf32, #tpu.memory_space<hbm>>
      tpu.enqueue_dma source(%dma_start3A_124 : memref<15616xf32, #tpu.memory_space<hbm>>) target(%dma_start3A_120 : memref<15616xf32, #tpu.memory_space<vmem_shared>>) target_semaphore(%arg27 : memref<!tpu.dma_semaphore, #tpu.memory_space<semaphore_mem>>)
      %eq3A_125 = arith.constant 0 : i32
      %eq3A_126 = arith.cmpi eq, %arg1, %eq3A_125 : i32
      %convert_element_type3A_127 = arith.extui %eq3A_126 : i1 to i32
      %cond3A_128 = arith.constant 0 : i32
      %cond3A_129 = arith.cmpi ne, %convert_element_type3A_127, %cond3A_128 : i32
      scf.if %cond3A_129 {
        "tpu.region"() ({
          %run_scoped3A = tpu.sem_alloc : memref<!tpu.dma_semaphore, #tpu.memory_space<semaphore_mem>>
          %dma_start3A_252 = arith.constant 999424 : i32
          %dma_start3A_253 = tpu.memref_slice %arg26[%dma_start3A_252] : memref<999936xf32, #tpu.memory_space<vmem_shared>> -> memref<512xf32, #tpu.memory_space<vmem_shared>>
          %dma_start3A_254 = arith.constant 0 : i32
          %dma_start3A_255 = tpu.memref_slice %arg2[%add3A_89, %dma_start3A_254] : memref<64x1000000xf32, #tpu.memory_space<hbm>> -> memref<1x1000000xf32, #tpu.memory_space<hbm>>
          %dma_start3A_256 = tpu.memref_squeeze %dma_start3A_255 : memref<1x1000000xf32, #tpu.memory_space<hbm>> -> memref<1000000xf32, #tpu.memory_space<hbm>>
          %dma_start3A_257 = arith.constant 999424 : i32
          %dma_start3A_258 = tpu.memref_slice %dma_start3A_256[%dma_start3A_257] : memref<1000000xf32, #tpu.memory_space<hbm>> -> memref<512xf32, #tpu.memory_space<hbm>>
          tpu.enqueue_dma source(%dma_start3A_258 : memref<512xf32, #tpu.memory_space<hbm>>) target(%dma_start3A_253 : memref<512xf32, #tpu.memory_space<vmem_shared>>) target_semaphore(%run_scoped3A : memref<!tpu.dma_semaphore, #tpu.memory_space<semaphore_mem>>)
          %dma_wait3A_259 = arith.constant 999424 : i32
          %dma_wait3A_260 = tpu.memref_slice %arg26[%dma_wait3A_259] : memref<999936xf32, #tpu.memory_space<vmem_shared>> -> memref<512xf32, #tpu.memory_space<vmem_shared>>
          %dma_wait3A_261 = arith.constant 0 : i32
          %dma_wait3A_262 = tpu.memref_slice %arg2[%add3A_89, %dma_wait3A_261] : memref<64x1000000xf32, #tpu.memory_space<hbm>> -> memref<1x1000000xf32, #tpu.memory_space<hbm>>
          %dma_wait3A_263 = tpu.memref_squeeze %dma_wait3A_262 : memref<1x1000000xf32, #tpu.memory_space<hbm>> -> memref<1000000xf32, #tpu.memory_space<hbm>>
          %dma_wait3A_264 = arith.constant 999424 : i32
          %dma_wait3A_265 = tpu.memref_slice %dma_wait3A_263[%dma_wait3A_264] : memref<1000000xf32, #tpu.memory_space<hbm>> -> memref<512xf32, #tpu.memory_space<hbm>>
          tpu.wait_dma2 semaphore(%run_scoped3A : memref<!tpu.dma_semaphore, #tpu.memory_space<semaphore_mem>>) src(%dma_wait3A_265 : memref<512xf32, #tpu.memory_space<hbm>>) dst(%dma_wait3A_260 : memref<512xf32, #tpu.memory_space<vmem_shared>>)
          tpu.yield
        }) : () -> ()
      } else {
      }
      %dma_wait3A = tpu.memref_slice %arg26[%add3A_93] : memref<999936xf32, #tpu.memory_space<vmem_shared>> -> memref<15616xf32, #tpu.memory_space<vmem_shared>>
      %dma_wait3A_130 = arith.constant 0 : i32
      %dma_wait3A_131 = tpu.memref_slice %arg2[%add3A_89, %dma_wait3A_130] : memref<64x1000000xf32, #tpu.memory_space<hbm>> -> memref<1x1000000xf32, #tpu.memory_space<hbm>>
      %dma_wait3A_132 = tpu.memref_squeeze %dma_wait3A_131 : memref<1x1000000xf32, #tpu.memory_space<hbm>> -> memref<1000000xf32, #tpu.memory_space<hbm>>
      %dma_wait3A_133 = tpu.memref_slice %dma_wait3A_132[%add3A_93] : memref<1000000xf32, #tpu.memory_space<hbm>> -> memref<15616xf32, #tpu.memory_space<hbm>>
      tpu.wait_dma2 semaphore(%arg27 : memref<!tpu.dma_semaphore, #tpu.memory_space<semaphore_mem>>) src(%dma_wait3A_133 : memref<15616xf32, #tpu.memory_space<hbm>>) dst(%dma_wait3A : memref<15616xf32, #tpu.memory_space<vmem_shared>>)
      %dma_wait3A_134 = tpu.memref_slice %arg26[%add3A_101] : memref<999936xf32, #tpu.memory_space<vmem_shared>> -> memref<15616xf32, #tpu.memory_space<vmem_shared>>
      %dma_wait3A_135 = arith.constant 0 : i32
      %dma_wait3A_136 = tpu.memref_slice %arg2[%add3A_89, %dma_wait3A_135] : memref<64x1000000xf32, #tpu.memory_space<hbm>> -> memref<1x1000000xf32, #tpu.memory_space<hbm>>
      %dma_wait3A_137 = tpu.memref_squeeze %dma_wait3A_136 : memref<1x1000000xf32, #tpu.memory_space<hbm>> -> memref<1000000xf32, #tpu.memory_space<hbm>>
      %dma_wait3A_138 = tpu.memref_slice %dma_wait3A_137[%add3A_101] : memref<1000000xf32, #tpu.memory_space<hbm>> -> memref<15616xf32, #tpu.memory_space<hbm>>
      tpu.wait_dma2 semaphore(%arg27 : memref<!tpu.dma_semaphore, #tpu.memory_space<semaphore_mem>>) src(%dma_wait3A_138 : memref<15616xf32, #tpu.memory_space<hbm>>) dst(%dma_wait3A_134 : memref<15616xf32, #tpu.memory_space<vmem_shared>>)
      %dma_wait3A_139 = tpu.memref_slice %arg26[%add3A_110] : memref<999936xf32, #tpu.memory_space<vmem_shared>> -> memref<15616xf32, #tpu.memory_space<vmem_shared>>
      %dma_wait3A_140 = arith.constant 0 : i32
      %dma_wait3A_141 = tpu.memref_slice %arg2[%add3A_89, %dma_wait3A_140] : memref<64x1000000xf32, #tpu.memory_space<hbm>> -> memref<1x1000000xf32, #tpu.memory_space<hbm>>
      %dma_wait3A_142 = tpu.memref_squeeze %dma_wait3A_141 : memref<1x1000000xf32, #tpu.memory_space<hbm>> -> memref<1000000xf32, #tpu.memory_space<hbm>>
      %dma_wait3A_143 = tpu.memref_slice %dma_wait3A_142[%add3A_110] : memref<1000000xf32, #tpu.memory_space<hbm>> -> memref<15616xf32, #tpu.memory_space<hbm>>
      tpu.wait_dma2 semaphore(%arg27 : memref<!tpu.dma_semaphore, #tpu.memory_space<semaphore_mem>>) src(%dma_wait3A_143 : memref<15616xf32, #tpu.memory_space<hbm>>) dst(%dma_wait3A_139 : memref<15616xf32, #tpu.memory_space<vmem_shared>>)
      %dma_wait3A_144 = tpu.memref_slice %arg26[%add3A_119] : memref<999936xf32, #tpu.memory_space<vmem_shared>> -> memref<15616xf32, #tpu.memory_space<vmem_shared>>
      %dma_wait3A_145 = arith.constant 0 : i32
      %dma_wait3A_146 = tpu.memref_slice %arg2[%add3A_89, %dma_wait3A_145] : memref<64x1000000xf32, #tpu.memory_space<hbm>> -> memref<1x1000000xf32, #tpu.memory_space<hbm>>
      %dma_wait3A_147 = tpu.memref_squeeze %dma_wait3A_146 : memref<1x1000000xf32, #tpu.memory_space<hbm>> -> memref<1000000xf32, #tpu.memory_space<hbm>>
      %dma_wait3A_148 = tpu.memref_slice %dma_wait3A_147[%add3A_119] : memref<1000000xf32, #tpu.memory_space<hbm>> -> memref<15616xf32, #tpu.memory_space<hbm>>
      tpu.wait_dma2 semaphore(%arg27 : memref<!tpu.dma_semaphore, #tpu.memory_space<semaphore_mem>>) src(%dma_wait3A_148 : memref<15616xf32, #tpu.memory_space<hbm>>) dst(%dma_wait3A_144 : memref<15616xf32, #tpu.memory_space<vmem_shared>>)
      %barrier3A = arith.constant 0 : index
      tpu.barrier barrier_id(%barrier3A)
      %dma_start3A_149 = arith.constant 0 : i32
      %dma_start3A_150 = tpu.memref_slice %arg22[%dma_start3A_149] : memref<1024xf32, #tpu.memory_space<vmem>> -> memref<128xf32, #tpu.memory_space<vmem>>
      %dma_start3A_151 = arith.constant 0 : i32
      %dma_start3A_152 = tpu.memref_slice %arg17[%dma_start3A_151] : memref<1024xi32, #tpu.memory_space<vmem>> -> memref<128xi32, #tpu.memory_space<vmem>>
      %dma_start3A_153 = arith.constant 0 : i32
      %dma_start3A_154 = tpu.memref_slice %arg26[%dma_start3A_153] : memref<999936xf32, #tpu.memory_space<vmem_shared>> -> memref<999936xf32, #tpu.memory_space<vmem_shared>>
      tpu.enqueue_indirect_dma source(%dma_start3A_154 : memref<999936xf32, #tpu.memory_space<vmem_shared>>) target(%dma_start3A_150 : memref<128xf32, #tpu.memory_space<vmem>>) offsets(%dma_start3A_152 : memref<128xi32, #tpu.memory_space<vmem>>) semaphore(%arg27 : memref<!tpu.dma_semaphore, #tpu.memory_space<semaphore_mem>>)
      %dma_start3A_155 = arith.constant 128 : i32
      %dma_start3A_156 = tpu.memref_slice %arg22[%dma_start3A_155] : memref<1024xf32, #tpu.memory_space<vmem>> -> memref<128xf32, #tpu.memory_space<vmem>>
      %dma_start3A_157 = arith.constant 128 : i32
      %dma_start3A_158 = tpu.memref_slice %arg17[%dma_start3A_157] : memref<1024xi32, #tpu.memory_space<vmem>> -> memref<128xi32, #tpu.memory_space<vmem>>
      %dma_start3A_159 = arith.constant 0 : i32
      %dma_start3A_160 = tpu.memref_slice %arg26[%dma_start3A_159] : memref<999936xf32, #tpu.memory_space<vmem_shared>> -> memref<999936xf32, #tpu.memory_space<vmem_shared>>
      tpu.enqueue_indirect_dma source(%dma_start3A_160 : memref<999936xf32, #tpu.memory_space<vmem_shared>>) target(%dma_start3A_156 : memref<128xf32, #tpu.memory_space<vmem>>) offsets(%dma_start3A_158 : memref<128xi32, #tpu.memory_space<vmem>>) semaphore(%arg27 : memref<!tpu.dma_semaphore, #tpu.memory_space<semaphore_mem>>)
      %dma_start3A_161 = arith.constant 256 : i32
      %dma_start3A_162 = tpu.memref_slice %arg22[%dma_start3A_161] : memref<1024xf32, #tpu.memory_space<vmem>> -> memref<128xf32, #tpu.memory_space<vmem>>
      %dma_start3A_163 = arith.constant 256 : i32
      %dma_start3A_164 = tpu.memref_slice %arg17[%dma_start3A_163] : memref<1024xi32, #tpu.memory_space<vmem>> -> memref<128xi32, #tpu.memory_space<vmem>>
      %dma_start3A_165 = arith.constant 0 : i32
      %dma_start3A_166 = tpu.memref_slice %arg26[%dma_start3A_165] : memref<999936xf32, #tpu.memory_space<vmem_shared>> -> memref<999936xf32, #tpu.memory_space<vmem_shared>>
      tpu.enqueue_indirect_dma source(%dma_start3A_166 : memref<999936xf32, #tpu.memory_space<vmem_shared>>) target(%dma_start3A_162 : memref<128xf32, #tpu.memory_space<vmem>>) offsets(%dma_start3A_164 : memref<128xi32, #tpu.memory_space<vmem>>) semaphore(%arg27 : memref<!tpu.dma_semaphore, #tpu.memory_space<semaphore_mem>>)
      %dma_start3A_167 = arith.constant 384 : i32
      %dma_start3A_168 = tpu.memref_slice %arg22[%dma_start3A_167] : memref<1024xf32, #tpu.memory_space<vmem>> -> memref<128xf32, #tpu.memory_space<vmem>>
      %dma_start3A_169 = arith.constant 384 : i32
      %dma_start3A_170 = tpu.memref_slice %arg17[%dma_start3A_169] : memref<1024xi32, #tpu.memory_space<vmem>> -> memref<128xi32, #tpu.memory_space<vmem>>
      %dma_start3A_171 = arith.constant 0 : i32
      %dma_start3A_172 = tpu.memref_slice %arg26[%dma_start3A_171] : memref<999936xf32, #tpu.memory_space<vmem_shared>> -> memref<999936xf32, #tpu.memory_space<vmem_shared>>
      tpu.enqueue_indirect_dma source(%dma_start3A_172 : memref<999936xf32, #tpu.memory_space<vmem_shared>>) target(%dma_start3A_168 : memref<128xf32, #tpu.memory_space<vmem>>) offsets(%dma_start3A_170 : memref<128xi32, #tpu.memory_space<vmem>>) semaphore(%arg27 : memref<!tpu.dma_semaphore, #tpu.memory_space<semaphore_mem>>)
      %dma_start3A_173 = arith.constant 512 : i32
      %dma_start3A_174 = tpu.memref_slice %arg22[%dma_start3A_173] : memref<1024xf32, #tpu.memory_space<vmem>> -> memref<128xf32, #tpu.memory_space<vmem>>
      %dma_start3A_175 = arith.constant 512 : i32
      %dma_start3A_176 = tpu.memref_slice %arg17[%dma_start3A_175] : memref<1024xi32, #tpu.memory_space<vmem>> -> memref<128xi32, #tpu.memory_space<vmem>>
      %dma_start3A_177 = arith.constant 0 : i32
      %dma_start3A_178 = tpu.memref_slice %arg26[%dma_start3A_177] : memref<999936xf32, #tpu.memory_space<vmem_shared>> -> memref<999936xf32, #tpu.memory_space<vmem_shared>>
      tpu.enqueue_indirect_dma source(%dma_start3A_178 : memref<999936xf32, #tpu.memory_space<vmem_shared>>) target(%dma_start3A_174 : memref<128xf32, #tpu.memory_space<vmem>>) offsets(%dma_start3A_176 : memref<128xi32, #tpu.memory_space<vmem>>) semaphore(%arg27 : memref<!tpu.dma_semaphore, #tpu.memory_space<semaphore_mem>>)
      %dma_start3A_179 = arith.constant 640 : i32
      %dma_start3A_180 = tpu.memref_slice %arg22[%dma_start3A_179] : memref<1024xf32, #tpu.memory_space<vmem>> -> memref<128xf32, #tpu.memory_space<vmem>>
      %dma_start3A_181 = arith.constant 640 : i32
      %dma_start3A_182 = tpu.memref_slice %arg17[%dma_start3A_181] : memref<1024xi32, #tpu.memory_space<vmem>> -> memref<128xi32, #tpu.memory_space<vmem>>
      %dma_start3A_183 = arith.constant 0 : i32
      %dma_start3A_184 = tpu.memref_slice %arg26[%dma_start3A_183] : memref<999936xf32, #tpu.memory_space<vmem_shared>> -> memref<999936xf32, #tpu.memory_space<vmem_shared>>
      tpu.enqueue_indirect_dma source(%dma_start3A_184 : memref<999936xf32, #tpu.memory_space<vmem_shared>>) target(%dma_start3A_180 : memref<128xf32, #tpu.memory_space<vmem>>) offsets(%dma_start3A_182 : memref<128xi32, #tpu.memory_space<vmem>>) semaphore(%arg27 : memref<!tpu.dma_semaphore, #tpu.memory_space<semaphore_mem>>)
      %dma_start3A_185 = arith.constant 768 : i32
      %dma_start3A_186 = tpu.memref_slice %arg22[%dma_start3A_185] : memref<1024xf32, #tpu.memory_space<vmem>> -> memref<128xf32, #tpu.memory_space<vmem>>
      %dma_start3A_187 = arith.constant 768 : i32
      %dma_start3A_188 = tpu.memref_slice %arg17[%dma_start3A_187] : memref<1024xi32, #tpu.memory_space<vmem>> -> memref<128xi32, #tpu.memory_space<vmem>>
      %dma_start3A_189 = arith.constant 0 : i32
      %dma_start3A_190 = tpu.memref_slice %arg26[%dma_start3A_189] : memref<999936xf32, #tpu.memory_space<vmem_shared>> -> memref<999936xf32, #tpu.memory_space<vmem_shared>>
      tpu.enqueue_indirect_dma source(%dma_start3A_190 : memref<999936xf32, #tpu.memory_space<vmem_shared>>) target(%dma_start3A_186 : memref<128xf32, #tpu.memory_space<vmem>>) offsets(%dma_start3A_188 : memref<128xi32, #tpu.memory_space<vmem>>) semaphore(%arg27 : memref<!tpu.dma_semaphore, #tpu.memory_space<semaphore_mem>>)
      %dma_start3A_191 = arith.constant 896 : i32
      %dma_start3A_192 = tpu.memref_slice %arg22[%dma_start3A_191] : memref<1024xf32, #tpu.memory_space<vmem>> -> memref<128xf32, #tpu.memory_space<vmem>>
      %dma_start3A_193 = arith.constant 896 : i32
      %dma_start3A_194 = tpu.memref_slice %arg17[%dma_start3A_193] : memref<1024xi32, #tpu.memory_space<vmem>> -> memref<128xi32, #tpu.memory_space<vmem>>
      %dma_start3A_195 = arith.constant 0 : i32
      %dma_start3A_196 = tpu.memref_slice %arg26[%dma_start3A_195] : memref<999936xf32, #tpu.memory_space<vmem_shared>> -> memref<999936xf32, #tpu.memory_space<vmem_shared>>
      tpu.enqueue_indirect_dma source(%dma_start3A_196 : memref<999936xf32, #tpu.memory_space<vmem_shared>>) target(%dma_start3A_192 : memref<128xf32, #tpu.memory_space<vmem>>) offsets(%dma_start3A_194 : memref<128xi32, #tpu.memory_space<vmem>>) semaphore(%arg27 : memref<!tpu.dma_semaphore, #tpu.memory_space<semaphore_mem>>)
      %dma_wait3A_197 = arith.constant 0 : i32
      %dma_wait3A_198 = tpu.memref_slice %arg22[%dma_wait3A_197] : memref<1024xf32, #tpu.memory_space<vmem>> -> memref<128xf32, #tpu.memory_space<vmem>>
      %dma_wait3A_199 = arith.constant 0 : i32
      %dma_wait3A_200 = tpu.memref_slice %arg17[%dma_wait3A_199] : memref<1024xi32, #tpu.memory_space<vmem>> -> memref<128xi32, #tpu.memory_space<vmem>>
      %dma_wait3A_201 = arith.constant 0 : i32
      %dma_wait3A_202 = tpu.memref_slice %arg26[%dma_wait3A_201] : memref<999936xf32, #tpu.memory_space<vmem_shared>> -> memref<999936xf32, #tpu.memory_space<vmem_shared>>
      tpu.wait_indirect_dma semaphore(%arg27 : memref<!tpu.dma_semaphore, #tpu.memory_space<semaphore_mem>>) src(%dma_wait3A_202 : memref<999936xf32, #tpu.memory_space<vmem_shared>>) dst(%dma_wait3A_198 : memref<128xf32, #tpu.memory_space<vmem>>)
      %dma_wait3A_203 = arith.constant 128 : i32
      %dma_wait3A_204 = tpu.memref_slice %arg22[%dma_wait3A_203] : memref<1024xf32, #tpu.memory_space<vmem>> -> memref<128xf32, #tpu.memory_space<vmem>>
      %dma_wait3A_205 = arith.constant 128 : i32
      %dma_wait3A_206 = tpu.memref_slice %arg17[%dma_wait3A_205] : memref<1024xi32, #tpu.memory_space<vmem>> -> memref<128xi32, #tpu.memory_space<vmem>>
      %dma_wait3A_207 = arith.constant 0 : i32
      %dma_wait3A_208 = tpu.memref_slice %arg26[%dma_wait3A_207] : memref<999936xf32, #tpu.memory_space<vmem_shared>> -> memref<999936xf32, #tpu.memory_space<vmem_shared>>
      tpu.wait_indirect_dma semaphore(%arg27 : memref<!tpu.dma_semaphore, #tpu.memory_space<semaphore_mem>>) src(%dma_wait3A_208 : memref<999936xf32, #tpu.memory_space<vmem_shared>>) dst(%dma_wait3A_204 : memref<128xf32, #tpu.memory_space<vmem>>)
      %dma_wait3A_209 = arith.constant 256 : i32
      %dma_wait3A_210 = tpu.memref_slice %arg22[%dma_wait3A_209] : memref<1024xf32, #tpu.memory_space<vmem>> -> memref<128xf32, #tpu.memory_space<vmem>>
      %dma_wait3A_211 = arith.constant 256 : i32
      %dma_wait3A_212 = tpu.memref_slice %arg17[%dma_wait3A_211] : memref<1024xi32, #tpu.memory_space<vmem>> -> memref<128xi32, #tpu.memory_space<vmem>>
      %dma_wait3A_213 = arith.constant 0 : i32
      %dma_wait3A_214 = tpu.memref_slice %arg26[%dma_wait3A_213] : memref<999936xf32, #tpu.memory_space<vmem_shared>> -> memref<999936xf32, #tpu.memory_space<vmem_shared>>
      tpu.wait_indirect_dma semaphore(%arg27 : memref<!tpu.dma_semaphore, #tpu.memory_space<semaphore_mem>>) src(%dma_wait3A_214 : memref<999936xf32, #tpu.memory_space<vmem_shared>>) dst(%dma_wait3A_210 : memref<128xf32, #tpu.memory_space<vmem>>)
      %dma_wait3A_215 = arith.constant 384 : i32
      %dma_wait3A_216 = tpu.memref_slice %arg22[%dma_wait3A_215] : memref<1024xf32, #tpu.memory_space<vmem>> -> memref<128xf32, #tpu.memory_space<vmem>>
      %dma_wait3A_217 = arith.constant 384 : i32
      %dma_wait3A_218 = tpu.memref_slice %arg17[%dma_wait3A_217] : memref<1024xi32, #tpu.memory_space<vmem>> -> memref<128xi32, #tpu.memory_space<vmem>>
      %dma_wait3A_219 = arith.constant 0 : i32
      %dma_wait3A_220 = tpu.memref_slice %arg26[%dma_wait3A_219] : memref<999936xf32, #tpu.memory_space<vmem_shared>> -> memref<999936xf32, #tpu.memory_space<vmem_shared>>
      tpu.wait_indirect_dma semaphore(%arg27 : memref<!tpu.dma_semaphore, #tpu.memory_space<semaphore_mem>>) src(%dma_wait3A_220 : memref<999936xf32, #tpu.memory_space<vmem_shared>>) dst(%dma_wait3A_216 : memref<128xf32, #tpu.memory_space<vmem>>)
      %dma_wait3A_221 = arith.constant 512 : i32
      %dma_wait3A_222 = tpu.memref_slice %arg22[%dma_wait3A_221] : memref<1024xf32, #tpu.memory_space<vmem>> -> memref<128xf32, #tpu.memory_space<vmem>>
      %dma_wait3A_223 = arith.constant 512 : i32
      %dma_wait3A_224 = tpu.memref_slice %arg17[%dma_wait3A_223] : memref<1024xi32, #tpu.memory_space<vmem>> -> memref<128xi32, #tpu.memory_space<vmem>>
      %dma_wait3A_225 = arith.constant 0 : i32
      %dma_wait3A_226 = tpu.memref_slice %arg26[%dma_wait3A_225] : memref<999936xf32, #tpu.memory_space<vmem_shared>> -> memref<999936xf32, #tpu.memory_space<vmem_shared>>
      tpu.wait_indirect_dma semaphore(%arg27 : memref<!tpu.dma_semaphore, #tpu.memory_space<semaphore_mem>>) src(%dma_wait3A_226 : memref<999936xf32, #tpu.memory_space<vmem_shared>>) dst(%dma_wait3A_222 : memref<128xf32, #tpu.memory_space<vmem>>)
      %dma_wait3A_227 = arith.constant 640 : i32
      %dma_wait3A_228 = tpu.memref_slice %arg22[%dma_wait3A_227] : memref<1024xf32, #tpu.memory_space<vmem>> -> memref<128xf32, #tpu.memory_space<vmem>>
      %dma_wait3A_229 = arith.constant 640 : i32
      %dma_wait3A_230 = tpu.memref_slice %arg17[%dma_wait3A_229] : memref<1024xi32, #tpu.memory_space<vmem>> -> memref<128xi32, #tpu.memory_space<vmem>>
      %dma_wait3A_231 = arith.constant 0 : i32
      %dma_wait3A_232 = tpu.memref_slice %arg26[%dma_wait3A_231] : memref<999936xf32, #tpu.memory_space<vmem_shared>> -> memref<999936xf32, #tpu.memory_space<vmem_shared>>
      tpu.wait_indirect_dma semaphore(%arg27 : memref<!tpu.dma_semaphore, #tpu.memory_space<semaphore_mem>>) src(%dma_wait3A_232 : memref<999936xf32, #tpu.memory_space<vmem_shared>>) dst(%dma_wait3A_228 : memref<128xf32, #tpu.memory_space<vmem>>)
      %dma_wait3A_233 = arith.constant 768 : i32
      %dma_wait3A_234 = tpu.memref_slice %arg22[%dma_wait3A_233] : memref<1024xf32, #tpu.memory_space<vmem>> -> memref<128xf32, #tpu.memory_space<vmem>>
      %dma_wait3A_235 = arith.constant 768 : i32
      %dma_wait3A_236 = tpu.memref_slice %arg17[%dma_wait3A_235] : memref<1024xi32, #tpu.memory_space<vmem>> -> memref<128xi32, #tpu.memory_space<vmem>>
      %dma_wait3A_237 = arith.constant 0 : i32
      %dma_wait3A_238 = tpu.memref_slice %arg26[%dma_wait3A_237] : memref<999936xf32, #tpu.memory_space<vmem_shared>> -> memref<999936xf32, #tpu.memory_space<vmem_shared>>
      tpu.wait_indirect_dma semaphore(%arg27 : memref<!tpu.dma_semaphore, #tpu.memory_space<semaphore_mem>>) src(%dma_wait3A_238 : memref<999936xf32, #tpu.memory_space<vmem_shared>>) dst(%dma_wait3A_234 : memref<128xf32, #tpu.memory_space<vmem>>)
      %dma_wait3A_239 = arith.constant 896 : i32
      %dma_wait3A_240 = tpu.memref_slice %arg22[%dma_wait3A_239] : memref<1024xf32, #tpu.memory_space<vmem>> -> memref<128xf32, #tpu.memory_space<vmem>>
      %dma_wait3A_241 = arith.constant 896 : i32
      %dma_wait3A_242 = tpu.memref_slice %arg17[%dma_wait3A_241] : memref<1024xi32, #tpu.memory_space<vmem>> -> memref<128xi32, #tpu.memory_space<vmem>>
      %dma_wait3A_243 = arith.constant 0 : i32
      %dma_wait3A_244 = tpu.memref_slice %arg26[%dma_wait3A_243] : memref<999936xf32, #tpu.memory_space<vmem_shared>> -> memref<999936xf32, #tpu.memory_space<vmem_shared>>
      tpu.wait_indirect_dma semaphore(%arg27 : memref<!tpu.dma_semaphore, #tpu.memory_space<semaphore_mem>>) src(%dma_wait3A_244 : memref<999936xf32, #tpu.memory_space<vmem_shared>>) dst(%dma_wait3A_240 : memref<128xf32, #tpu.memory_space<vmem>>)
      %scan3A_245 = arith.constant 0 : i32
      %scan3A_246 = arith.constant 0 : i32
      %scan3A_247 = arith.constant 64 : i32
      %scan3A_248 = arith.addi %scan3A_246, %scan3A_247 : i32
      %scan3A_249 = arith.constant 1 : i32
      scf.for %scan3A_252 = %scan3A_246 to %scan3A_248 step %scan3A_249  : i32 {
        %mul3A_253 = arith.constant 16 : i32
        %mul3A_254 = arith.muli %scan3A_252, %mul3A_253 : i32
        %get3A = arith.index_cast %mul3A_254 : i32 to index
        %get3A_255 = tpu.vector_load %arg21[%get3A] {strides = array<i32>} : memref<1024xf32, #tpu.memory_space<vmem>>, vector<16xf32>,
        %get3A_256 = arith.index_cast %mul3A_254 : i32 to index
        %get3A_257 = tpu.vector_load %arg22[%get3A_256] {strides = array<i32>} : memref<1024xf32, #tpu.memory_space<vmem>>, vector<16xf32>,
        %get3A_258 = arith.index_cast %mul3A_254 : i32 to index
        %get3A_259 = tpu.vector_load %arg18[%get3A_258] {strides = array<i32>} : memref<1024xf32, #tpu.memory_space<vmem>>, vector<16xf32>,
        %mul3A_260 = arith.mulf %get3A_257, %get3A_259 : vector<16xf32>
        %mul3A_261 = arith.constant 1024 : i32
        %mul3A_262 = arith.muli %scan3A_88, %mul3A_261 : i32
        %mul3A_263 = arith.constant 16 : i32
        %mul3A_264 = arith.muli %scan3A_252, %mul3A_263 : i32
        %add3A_265 = arith.addi %mul3A_262, %mul3A_264 : i32
        %get3A_266 = arith.index_cast %add3A_265 : i32 to index
        %get3A_267 = tpu.vector_load %arg19[%get3A_266] {strides = array<i32>} : memref<32768xf32, #tpu.memory_space<vmem>>, vector<16xf32>,
        %mul3A_268 = arith.mulf %mul3A_260, %get3A_267 : vector<16xf32>
        %add3A_269 = arith.addf %get3A_255, %mul3A_268 : vector<16xf32>
        %swap3A = arith.index_cast %mul3A_254 : i32 to index
        %swap3A_270 = tpu.vector_load %arg21[%swap3A] {strides = array<i32>} : memref<1024xf32, #tpu.memory_space<vmem>>, vector<16xf32>,
        tpu.vector_store %arg21[%swap3A], %add3A_269 {strides = array<i32>} : memref<1024xf32, #tpu.memory_space<vmem>>, vector<16xf32>,
      }
      %scan3A_250 = arith.constant 64 : i32
      %barrier3A_251 = arith.constant 0 : index
      tpu.barrier barrier_id(%barrier3A_251)
    }
    %scan3A_17 = arith.constant 32 : i32
    %scan3A_18 = arith.constant 0.000000e+00 : f32
    %scan3A_19 = arith.constant 0 : i32
    %scan3A_20 = arith.constant 64 : i32
    %scan3A_21 = arith.addi %scan3A_19, %scan3A_20 : i32
    %scan3A_22 = arith.constant 1 : i32
    %scan3A_23 = scf.for %scan3A_88 = %scan3A_19 to %scan3A_21 step %scan3A_22 iter_args(%scan3A_89 = %scan3A_18) -> (f32)  : i32 {
      %mul3A_90 = arith.constant 16 : i32
      %mul3A_91 = arith.muli %scan3A_88, %mul3A_90 : i32
      %get3A = arith.index_cast %mul3A_91 : i32 to index
      %get3A_92 = tpu.vector_load %arg18[%get3A] {strides = array<i32>} : memref<1024xf32, #tpu.memory_space<vmem>>, vector<16xf32>,
      %sub3A = arith.constant 1.000000e+00 : f32
      %sub3A_93 = vector.broadcast %sub3A : f32 to vector<16xf32>
      %sub3A_94 = arith.subf %sub3A_93, %get3A_92 : vector<16xf32>
      %reduce_sum3A = arith.constant true
      %reduce_sum3A_95 = vector.broadcast %reduce_sum3A : i1 to vector<16xi1>
      %reduce_sum3A_96 = tpu.scan <sum>, %sub3A_94 masked %reduce_sum3A_95 : vector<16xf32>, vector<16xi1> -> vector<16xf32>
      %reduce_sum3A_97 = vector.extract %reduce_sum3A_96[15] : f32 from vector<16xf32>
      %add3A_98 = arith.addf %scan3A_89, %reduce_sum3A_97 : f32
      scf.yield %add3A_98 : f32
    }
    %scan3A_24 = arith.constant 64 : i32
    "tpu.region"() ({
      %run_scoped3A = tpu.sem_alloc : memref<!tpu.dma_semaphore, #tpu.memory_space<semaphore_mem>>
      tpu.enqueue_dma source(%arg3 : memref<4096xf32, #tpu.memory_space<hbm>>) target(%arg25 : memref<4096xf32, #tpu.memory_space<vmem>>) target_semaphore(%run_scoped3A : memref<!tpu.dma_semaphore, #tpu.memory_space<semaphore_mem>>)
      tpu.wait_dma2 semaphore(%run_scoped3A : memref<!tpu.dma_semaphore, #tpu.memory_space<semaphore_mem>>) src(%arg3 : memref<4096xf32, #tpu.memory_space<hbm>>) dst(%arg25 : memref<4096xf32, #tpu.memory_space<vmem>>)
      tpu.yield
    }) : () -> ()
    %gt3A = arith.constant 0.000000e+00 : f32
    %gt3A_25 = arith.cmpf ogt, %scan3A_23, %gt3A : f32
    %convert_element_type3A = arith.extui %gt3A_25 : i1 to i32
    %cond3A = arith.constant 0 : i32
    %cond3A_26 = arith.cmpi ne, %convert_element_type3A, %cond3A : i32
    scf.if %cond3A_26 {
      %scan3A_88 = arith.constant 0 : i32
      %scan3A_89 = arith.constant 0 : i32
      %scan3A_90 = arith.constant 64 : i32
      %scan3A_91 = arith.addi %scan3A_89, %scan3A_90 : i32
      %scan3A_92 = arith.constant 1 : i32
      scf.for %scan3A_94 = %scan3A_89 to %scan3A_91 step %scan3A_92  : i32 {
        %mul3A_95 = arith.constant 16 : i32
        %mul3A_96 = arith.muli %scan3A_94, %mul3A_95 : i32
        %get3A = arith.index_cast %mul3A_96 : i32 to index
        %get3A_97 = tpu.vector_load %arg18[%get3A] {strides = array<i32>} : memref<1024xf32, #tpu.memory_space<vmem>>, vector<16xf32>,
        %sub3A = arith.constant 1.000000e+00 : f32
        %sub3A_98 = vector.broadcast %sub3A : f32 to vector<16xf32>
        %sub3A_99 = arith.subf %sub3A_98, %get3A_97 : vector<16xf32>
        %get3A_100 = arith.index_cast %mul3A_96 : i32 to index
        %get3A_101 = tpu.vector_load %arg12[%get3A_100] {strides = array<i32>} : memref<1024xi32, #tpu.memory_space<vmem>>, vector<16xi32>,
        %sub3A_102 = arith.constant 999936 : i32
        %sub3A_103 = vector.broadcast %sub3A_102 : i32 to vector<16xi32>
        %sub3A_104 = arith.subi %get3A_101, %sub3A_103 : vector<16xi32>
        %max3A = arith.constant 0 : i32
        %max3A_105 = vector.broadcast %max3A : i32 to vector<16xi32>
        %max3A_106 = arith.maxsi %sub3A_104, %max3A_105 : vector<16xi32>
        %scan3A_107 = arith.constant 0 : i32
        %scan3A_108 = arith.constant 32 : i32
        %scan3A_109 = arith.addi %scan3A_107, %scan3A_108 : i32
        %scan3A_110 = arith.constant 1 : i32
        scf.for %scan3A_112 = %scan3A_107 to %scan3A_109 step %scan3A_110  : i32 {
          %add3A_113 = arith.addi %mul3A_5, %scan3A_112 : i32
          %mul3A_114 = arith.constant 64 : i32
          %mul3A_115 = arith.muli %add3A_113, %mul3A_114 : i32
          %add3A_116 = vector.broadcast %mul3A_115 : i32 to vector<16xi32>
          %add3A_117 = arith.addi %max3A_106, %add3A_116 : vector<16xi32>
          %gather3A = tpu.vector_load_idx %arg25[%add3A_117] : memref<4096xf32, #tpu.memory_space<vmem>>[vector<16xi32>], vector<16xf32>,
          %get3A_118 = arith.index_cast %mul3A_96 : i32 to index
          %get3A_119 = tpu.vector_load %arg21[%get3A_118] {strides = array<i32>} : memref<1024xf32, #tpu.memory_space<vmem>>, vector<16xf32>,
          %mul3A_120 = arith.mulf %sub3A_99, %gather3A : vector<16xf32>
          %mul3A_121 = arith.constant 1024 : i32
          %mul3A_122 = arith.muli %scan3A_112, %mul3A_121 : i32
          %mul3A_123 = arith.constant 16 : i32
          %mul3A_124 = arith.muli %scan3A_94, %mul3A_123 : i32
          %add3A_125 = arith.addi %mul3A_122, %mul3A_124 : i32
          %get3A_126 = arith.index_cast %add3A_125 : i32 to index
          %get3A_127 = tpu.vector_load %arg19[%get3A_126] {strides = array<i32>} : memref<32768xf32, #tpu.memory_space<vmem>>, vector<16xf32>,
          %mul3A_128 = arith.mulf %mul3A_120, %get3A_127 : vector<16xf32>
          %add3A_129 = arith.addf %get3A_119, %mul3A_128 : vector<16xf32>
          %swap3A = arith.index_cast %mul3A_96 : i32 to index
          %swap3A_130 = tpu.vector_load %arg21[%swap3A] {strides = array<i32>} : memref<1024xf32, #tpu.memory_space<vmem>>, vector<16xf32>,
          tpu.vector_store %arg21[%swap3A], %add3A_129 {strides = array<i32>} : memref<1024xf32, #tpu.memory_space<vmem>>, vector<16xf32>,
        }
        %scan3A_111 = arith.constant 32 : i32
      }
      %scan3A_93 = arith.constant 64 : i32
    } else {
    }
    %eq3A = arith.constant 0 : i32
    %eq3A_27 = arith.cmpi eq, %arg0, %eq3A : i32
    %convert_element_type3A_28 = arith.extui %eq3A_27 : i1 to i32
    %cond3A_29 = arith.constant 0 : i32
    %cond3A_30 = arith.cmpi ne, %convert_element_type3A_28, %cond3A_29 : i32
    scf.if %cond3A_30 {
      %scan3A_88 = arith.constant 0 : i32
      %scan3A_89 = arith.constant 0 : i32
      %scan3A_90 = arith.constant 8 : i32
      %scan3A_91 = arith.addi %scan3A_89, %scan3A_90 : i32
      %scan3A_92 = arith.constant 1 : i32
      scf.for %scan3A_101 = %scan3A_89 to %scan3A_91 step %scan3A_92  : i32 {
        %mul3A_102 = arith.constant 128 : i32
        %mul3A_103 = arith.muli %scan3A_101, %mul3A_102 : i32
        %dma_start3A = tpu.memref_slice %arg15[%mul3A_103] : memref<1024xi32, #tpu.memory_space<vmem>> -> memref<128xi32, #tpu.memory_space<vmem>>
        %dma_start3A_104 = arith.constant 0 : i32
        %dma_start3A_105 = arith.constant 0 : i32
        %dma_start3A_106 = tpu.memref_slice %arg5[%dma_start3A_104, %dma_start3A_105] : memref<7813x128xf32, #tpu.memory_space<hbm>> -> memref<7813x128xf32, #tpu.memory_space<hbm>>
        tpu.enqueue_indirect_dma source(%dma_start3A_106 : memref<7813x128xf32, #tpu.memory_space<hbm>>) target(%arg20 : memref<128x128xf32, #tpu.memory_space<vmem>>) offsets(%dma_start3A : memref<128xi32, #tpu.memory_space<vmem>>) semaphore(%arg27 : memref<!tpu.dma_semaphore, #tpu.memory_space<semaphore_mem>>)
        %dma_wait3A = tpu.memref_slice %arg15[%mul3A_103] : memref<1024xi32, #tpu.memory_space<vmem>> -> memref<128xi32, #tpu.memory_space<vmem>>
        %dma_wait3A_107 = arith.constant 0 : i32
        %dma_wait3A_108 = arith.constant 0 : i32
        %dma_wait3A_109 = tpu.memref_slice %arg5[%dma_wait3A_107, %dma_wait3A_108] : memref<7813x128xf32, #tpu.memory_space<hbm>> -> memref<7813x128xf32, #tpu.memory_space<hbm>>
        tpu.wait_indirect_dma semaphore(%arg27 : memref<!tpu.dma_semaphore, #tpu.memory_space<semaphore_mem>>) src(%dma_wait3A_109 : memref<7813x128xf32, #tpu.memory_space<hbm>>) dst(%arg20 : memref<128x128xf32, #tpu.memory_space<vmem>>)
        %scan3A_110 = arith.constant 0 : i32
        %scan3A_111 = arith.constant 8 : i32
        %scan3A_112 = arith.addi %scan3A_110, %scan3A_111 : i32
        %scan3A_113 = arith.constant 1 : i32
        scf.for %scan3A_115 = %scan3A_110 to %scan3A_112 step %scan3A_113  : i32 {
          %mul3A_116 = arith.constant 16 : i32
          %mul3A_117 = arith.muli %scan3A_115, %mul3A_116 : i32
          %iota3A = tpu.iota {dimensions = array<i32: 0>} : vector<16xi32>
          %add3A_118 = vector.broadcast %mul3A_117 : i32 to vector<16xi32>
          %add3A_119 = arith.addi %add3A_118, %iota3A : vector<16xi32>
          %mul3A_120 = arith.constant 128 : i32
          %mul3A_121 = arith.muli %scan3A_101, %mul3A_120 : i32
          %mul3A_122 = arith.constant 16 : i32
          %mul3A_123 = arith.muli %scan3A_115, %mul3A_122 : i32
          %add3A_124 = arith.addi %mul3A_121, %mul3A_123 : i32
          %get3A_125 = arith.index_cast %add3A_124 : i32 to index
          %get3A_126 = tpu.vector_load %arg12[%get3A_125] {strides = array<i32>} : memref<1024xi32, #tpu.memory_space<vmem>>, vector<16xi32>,
          %and3A = arith.constant 127 : i32
          %and3A_127 = vector.broadcast %and3A : i32 to vector<16xi32>
          %and3A_128 = arith.andi %get3A_126, %and3A_127 : vector<16xi32>
          %get3A_129 = arith.index_cast %add3A_124 : i32 to index
          %get3A_130 = tpu.vector_load %arg21[%get3A_129] {strides = array<i32>} : memref<1024xf32, #tpu.memory_space<vmem>>, vector<16xf32>,
          %gather3A = tpu.vector_load_idx %arg20[%add3A_119, %and3A_128] : memref<128x128xf32, #tpu.memory_space<vmem>>[vector<16xi32>, vector<16xi32>], vector<16xf32>,
          %add3A_131 = arith.addf %get3A_130, %gather3A : vector<16xf32>
          %swap3A = arith.index_cast %add3A_124 : i32 to index
          %swap3A_132 = tpu.vector_load %arg21[%swap3A] {strides = array<i32>} : memref<1024xf32, #tpu.memory_space<vmem>>, vector<16xf32>,
          tpu.vector_store %arg21[%swap3A], %add3A_131 {strides = array<i32>} : memref<1024xf32, #tpu.memory_space<vmem>>, vector<16xf32>,
        }
        %scan3A_114 = arith.constant 8 : i32
      }
      %scan3A_93 = arith.constant 8 : i32
      %get3A = arith.constant 0 : index
      %get3A_94 = tpu.vector_load %arg23[%get3A] {strides = array<i32>} : memref<16xf32, #tpu.memory_space<vmem>>, vector<16xf32>,
      %scan3A_95 = arith.constant 0 : i32
      %scan3A_96 = arith.constant 0 : i32
      %scan3A_97 = arith.constant 64 : i32
      %scan3A_98 = arith.addi %scan3A_96, %scan3A_97 : i32
      %scan3A_99 = arith.constant 1 : i32
      scf.for %scan3A_101 = %scan3A_96 to %scan3A_98 step %scan3A_99  : i32 {
        %mul3A_102 = arith.constant 16 : i32
        %mul3A_103 = arith.muli %scan3A_101, %mul3A_102 : i32
        %get3A_104 = arith.index_cast %mul3A_103 : i32 to index
        %get3A_105 = tpu.vector_load %arg21[%get3A_104] {strides = array<i32>} : memref<1024xf32, #tpu.memory_space<vmem>>, vector<16xf32>,
        %add3A_106 = arith.addf %get3A_105, %get3A_94 : vector<16xf32>
        %swap3A = arith.index_cast %mul3A_103 : i32 to index
        %swap3A_107 = tpu.vector_load %arg21[%swap3A] {strides = array<i32>} : memref<1024xf32, #tpu.memory_space<vmem>>, vector<16xf32>,
        tpu.vector_store %arg21[%swap3A], %add3A_106 {strides = array<i32>} : memref<1024xf32, #tpu.memory_space<vmem>>, vector<16xf32>,
      }
      %scan3A_100 = arith.constant 64 : i32
    } else {
    }
    %eq3A_31 = arith.constant 1 : i32
    %eq3A_32 = arith.cmpi eq, %arg0, %eq3A_31 : i32
    %convert_element_type3A_33 = arith.extui %eq3A_32 : i1 to i32
    %cond3A_34 = arith.constant 0 : i32
    %cond3A_35 = arith.cmpi ne, %convert_element_type3A_33, %cond3A_34 : i32
    scf.if %cond3A_35 {
      %scan3A_88 = arith.constant 0 : i32
      %scan3A_89 = arith.constant 0 : i32
      %scan3A_90 = arith.constant 8 : i32
      %scan3A_91 = arith.addi %scan3A_89, %scan3A_90 : i32
      %scan3A_92 = arith.constant 1 : i32
      scf.for %scan3A_94 = %scan3A_89 to %scan3A_91 step %scan3A_92  : i32 {
        %mul3A_95 = arith.constant 128 : i32
        %mul3A_96 = arith.muli %scan3A_94, %mul3A_95 : i32
        %dma_start3A = tpu.memref_slice %arg16[%mul3A_96] : memref<1024xi32, #tpu.memory_space<vmem>> -> memref<128xi32, #tpu.memory_space<vmem>>
        %dma_start3A_97 = arith.constant 0 : i32
        %dma_start3A_98 = arith.constant 0 : i32
        %dma_start3A_99 = tpu.memref_slice %arg6[%dma_start3A_97, %dma_start3A_98] : memref<782x128xf32, #tpu.memory_space<hbm>> -> memref<782x128xf32, #tpu.memory_space<hbm>>
        tpu.enqueue_indirect_dma source(%dma_start3A_99 : memref<782x128xf32, #tpu.memory_space<hbm>>) target(%arg20 : memref<128x128xf32, #tpu.memory_space<vmem>>) offsets(%dma_start3A : memref<128xi32, #tpu.memory_space<vmem>>) semaphore(%arg27 : memref<!tpu.dma_semaphore, #tpu.memory_space<semaphore_mem>>)
        %dma_wait3A = tpu.memref_slice %arg16[%mul3A_96] : memref<1024xi32, #tpu.memory_space<vmem>> -> memref<128xi32, #tpu.memory_space<vmem>>
        %dma_wait3A_100 = arith.constant 0 : i32
        %dma_wait3A_101 = arith.constant 0 : i32
        %dma_wait3A_102 = tpu.memref_slice %arg6[%dma_wait3A_100, %dma_wait3A_101] : memref<782x128xf32, #tpu.memory_space<hbm>> -> memref<782x128xf32, #tpu.memory_space<hbm>>
        tpu.wait_indirect_dma semaphore(%arg27 : memref<!tpu.dma_semaphore, #tpu.memory_space<semaphore_mem>>) src(%dma_wait3A_102 : memref<782x128xf32, #tpu.memory_space<hbm>>) dst(%arg20 : memref<128x128xf32, #tpu.memory_space<vmem>>)
        %scan3A_103 = arith.constant 0 : i32
        %scan3A_104 = arith.constant 8 : i32
        %scan3A_105 = arith.addi %scan3A_103, %scan3A_104 : i32
        %scan3A_106 = arith.constant 1 : i32
        scf.for %scan3A_108 = %scan3A_103 to %scan3A_105 step %scan3A_106  : i32 {
          %mul3A_109 = arith.constant 16 : i32
          %mul3A_110 = arith.muli %scan3A_108, %mul3A_109 : i32
          %iota3A = tpu.iota {dimensions = array<i32: 0>} : vector<16xi32>
          %add3A_111 = vector.broadcast %mul3A_110 : i32 to vector<16xi32>
          %add3A_112 = arith.addi %add3A_111, %iota3A : vector<16xi32>
          %mul3A_113 = arith.constant 128 : i32
          %mul3A_114 = arith.muli %scan3A_94, %mul3A_113 : i32
          %mul3A_115 = arith.constant 16 : i32
          %mul3A_116 = arith.muli %scan3A_108, %mul3A_115 : i32
          %add3A_117 = arith.addi %mul3A_114, %mul3A_116 : i32
          %get3A = arith.index_cast %add3A_117 : i32 to index
          %get3A_118 = tpu.vector_load %arg13[%get3A] {strides = array<i32>} : memref<1024xi32, #tpu.memory_space<vmem>>, vector<16xi32>,
          %and3A = arith.constant 127 : i32
          %and3A_119 = vector.broadcast %and3A : i32 to vector<16xi32>
          %and3A_120 = arith.andi %get3A_118, %and3A_119 : vector<16xi32>
          %get3A_121 = arith.index_cast %add3A_117 : i32 to index
          %get3A_122 = tpu.vector_load %arg21[%get3A_121] {strides = array<i32>} : memref<1024xf32, #tpu.memory_space<vmem>>, vector<16xf32>,
          %gather3A = tpu.vector_load_idx %arg20[%add3A_112, %and3A_120] : memref<128x128xf32, #tpu.memory_space<vmem>>[vector<16xi32>, vector<16xi32>], vector<16xf32>,
          %add3A_123 = arith.addf %get3A_122, %gather3A : vector<16xf32>
          %swap3A = arith.index_cast %add3A_117 : i32 to index
          %swap3A_124 = tpu.vector_load %arg21[%swap3A] {strides = array<i32>} : memref<1024xf32, #tpu.memory_space<vmem>>, vector<16xf32>,
          tpu.vector_store %arg21[%swap3A], %add3A_123 {strides = array<i32>} : memref<1024xf32, #tpu.memory_space<vmem>>, vector<16xf32>,
        }
        %scan3A_107 = arith.constant 8 : i32
      }
      %scan3A_93 = arith.constant 8 : i32
    } else {
    }
    %scan3A_36 = arith.constant 0 : i32
    %scan3A_37 = arith.constant 0 : i32
    %scan3A_38 = arith.constant 8 : i32
    %scan3A_39 = arith.addi %scan3A_37, %scan3A_38 : i32
    %scan3A_40 = arith.constant 1 : i32
    scf.for %scan3A_88 = %scan3A_37 to %scan3A_39 step %scan3A_40  : i32 {
      %mul3A_89 = arith.constant 16 : i32
      %mul3A_90 = arith.muli %scan3A_88, %mul3A_89 : i32
      %add3A_91 = arith.constant 0 : i32
      %add3A_92 = arith.addi %add3A_91, %mul3A_90 : i32
      %get3A = arith.index_cast %add3A_92 : i32 to index
      %get3A_93 = tpu.vector_load %arg21[%get3A] {strides = array<i32>} : memref<1024xf32, #tpu.memory_space<vmem>>, vector<16xf32>,
      %mul3A_94 = arith.constant 16 : i32
      %mul3A_95 = arith.muli %scan3A_88, %mul3A_94 : i32
      %swap3A = arith.constant 0 : i32
      %swap3A_96 = arith.index_cast %swap3A : i32 to index
      %swap3A_97 = arith.index_cast %mul3A_95 : i32 to index
      %swap3A_98 = tpu.vector_load %arg24[%swap3A_96, %swap3A_97] {strides = array<i32>} : memref<8x128xf32, #tpu.memory_space<vmem>>, vector<16xf32>,
      tpu.vector_store %arg24[%swap3A_96, %swap3A_97], %get3A_93 {strides = array<i32>} : memref<8x128xf32, #tpu.memory_space<vmem>>, vector<16xf32>,
    }
    %scan3A_41 = arith.constant 8 : i32
    %scan3A_42 = arith.constant 0 : i32
    %scan3A_43 = arith.constant 0 : i32
    %scan3A_44 = arith.constant 8 : i32
    %scan3A_45 = arith.addi %scan3A_43, %scan3A_44 : i32
    %scan3A_46 = arith.constant 1 : i32
    scf.for %scan3A_88 = %scan3A_43 to %scan3A_45 step %scan3A_46  : i32 {
      %mul3A_89 = arith.constant 16 : i32
      %mul3A_90 = arith.muli %scan3A_88, %mul3A_89 : i32
      %add3A_91 = arith.constant 128 : i32
      %add3A_92 = arith.addi %add3A_91, %mul3A_90 : i32
      %get3A = arith.index_cast %add3A_92 : i32 to index
      %get3A_93 = tpu.vector_load %arg21[%get3A] {strides = array<i32>} : memref<1024xf32, #tpu.memory_space<vmem>>, vector<16xf32>,
      %mul3A_94 = arith.constant 16 : i32
      %mul3A_95 = arith.muli %scan3A_88, %mul3A_94 : i32
      %swap3A = arith.constant 1 : i32
      %swap3A_96 = arith.index_cast %swap3A : i32 to index
      %swap3A_97 = arith.index_cast %mul3A_95 : i32 to index
      %swap3A_98 = tpu.vector_load %arg24[%swap3A_96, %swap3A_97] {strides = array<i32>} : memref<8x128xf32, #tpu.memory_space<vmem>>, vector<16xf32>,
      tpu.vector_store %arg24[%swap3A_96, %swap3A_97], %get3A_93 {strides = array<i32>} : memref<8x128xf32, #tpu.memory_space<vmem>>, vector<16xf32>,
    }
    %scan3A_47 = arith.constant 8 : i32
    %scan3A_48 = arith.constant 0 : i32
    %scan3A_49 = arith.constant 0 : i32
    %scan3A_50 = arith.constant 8 : i32
    %scan3A_51 = arith.addi %scan3A_49, %scan3A_50 : i32
    %scan3A_52 = arith.constant 1 : i32
    scf.for %scan3A_88 = %scan3A_49 to %scan3A_51 step %scan3A_52  : i32 {
      %mul3A_89 = arith.constant 16 : i32
      %mul3A_90 = arith.muli %scan3A_88, %mul3A_89 : i32
      %add3A_91 = arith.constant 256 : i32
      %add3A_92 = arith.addi %add3A_91, %mul3A_90 : i32
      %get3A = arith.index_cast %add3A_92 : i32 to index
      %get3A_93 = tpu.vector_load %arg21[%get3A] {strides = array<i32>} : memref<1024xf32, #tpu.memory_space<vmem>>, vector<16xf32>,
      %mul3A_94 = arith.constant 16 : i32
      %mul3A_95 = arith.muli %scan3A_88, %mul3A_94 : i32
      %swap3A = arith.constant 2 : i32
      %swap3A_96 = arith.index_cast %swap3A : i32 to index
      %swap3A_97 = arith.index_cast %mul3A_95 : i32 to index
      %swap3A_98 = tpu.vector_load %arg24[%swap3A_96, %swap3A_97] {strides = array<i32>} : memref<8x128xf32, #tpu.memory_space<vmem>>, vector<16xf32>,
      tpu.vector_store %arg24[%swap3A_96, %swap3A_97], %get3A_93 {strides = array<i32>} : memref<8x128xf32, #tpu.memory_space<vmem>>, vector<16xf32>,
    }
    %scan3A_53 = arith.constant 8 : i32
    %scan3A_54 = arith.constant 0 : i32
    %scan3A_55 = arith.constant 0 : i32
    %scan3A_56 = arith.constant 8 : i32
    %scan3A_57 = arith.addi %scan3A_55, %scan3A_56 : i32
    %scan3A_58 = arith.constant 1 : i32
    scf.for %scan3A_88 = %scan3A_55 to %scan3A_57 step %scan3A_58  : i32 {
      %mul3A_89 = arith.constant 16 : i32
      %mul3A_90 = arith.muli %scan3A_88, %mul3A_89 : i32
      %add3A_91 = arith.constant 384 : i32
      %add3A_92 = arith.addi %add3A_91, %mul3A_90 : i32
      %get3A = arith.index_cast %add3A_92 : i32 to index
      %get3A_93 = tpu.vector_load %arg21[%get3A] {strides = array<i32>} : memref<1024xf32, #tpu.memory_space<vmem>>, vector<16xf32>,
      %mul3A_94 = arith.constant 16 : i32
      %mul3A_95 = arith.muli %scan3A_88, %mul3A_94 : i32
      %swap3A = arith.constant 3 : i32
      %swap3A_96 = arith.index_cast %swap3A : i32 to index
      %swap3A_97 = arith.index_cast %mul3A_95 : i32 to index
      %swap3A_98 = tpu.vector_load %arg24[%swap3A_96, %swap3A_97] {strides = array<i32>} : memref<8x128xf32, #tpu.memory_space<vmem>>, vector<16xf32>,
      tpu.vector_store %arg24[%swap3A_96, %swap3A_97], %get3A_93 {strides = array<i32>} : memref<8x128xf32, #tpu.memory_space<vmem>>, vector<16xf32>,
    }
    %scan3A_59 = arith.constant 8 : i32
    %scan3A_60 = arith.constant 0 : i32
    %scan3A_61 = arith.constant 0 : i32
    %scan3A_62 = arith.constant 8 : i32
    %scan3A_63 = arith.addi %scan3A_61, %scan3A_62 : i32
    %scan3A_64 = arith.constant 1 : i32
    scf.for %scan3A_88 = %scan3A_61 to %scan3A_63 step %scan3A_64  : i32 {
      %mul3A_89 = arith.constant 16 : i32
      %mul3A_90 = arith.muli %scan3A_88, %mul3A_89 : i32
      %add3A_91 = arith.constant 512 : i32
      %add3A_92 = arith.addi %add3A_91, %mul3A_90 : i32
      %get3A = arith.index_cast %add3A_92 : i32 to index
      %get3A_93 = tpu.vector_load %arg21[%get3A] {strides = array<i32>} : memref<1024xf32, #tpu.memory_space<vmem>>, vector<16xf32>,
      %mul3A_94 = arith.constant 16 : i32
      %mul3A_95 = arith.muli %scan3A_88, %mul3A_94 : i32
      %swap3A = arith.constant 4 : i32
      %swap3A_96 = arith.index_cast %swap3A : i32 to index
      %swap3A_97 = arith.index_cast %mul3A_95 : i32 to index
      %swap3A_98 = tpu.vector_load %arg24[%swap3A_96, %swap3A_97] {strides = array<i32>} : memref<8x128xf32, #tpu.memory_space<vmem>>, vector<16xf32>,
      tpu.vector_store %arg24[%swap3A_96, %swap3A_97], %get3A_93 {strides = array<i32>} : memref<8x128xf32, #tpu.memory_space<vmem>>, vector<16xf32>,
    }
    %scan3A_65 = arith.constant 8 : i32
    %scan3A_66 = arith.constant 0 : i32
    %scan3A_67 = arith.constant 0 : i32
    %scan3A_68 = arith.constant 8 : i32
    %scan3A_69 = arith.addi %scan3A_67, %scan3A_68 : i32
    %scan3A_70 = arith.constant 1 : i32
    scf.for %scan3A_88 = %scan3A_67 to %scan3A_69 step %scan3A_70  : i32 {
      %mul3A_89 = arith.constant 16 : i32
      %mul3A_90 = arith.muli %scan3A_88, %mul3A_89 : i32
      %add3A_91 = arith.constant 640 : i32
      %add3A_92 = arith.addi %add3A_91, %mul3A_90 : i32
      %get3A = arith.index_cast %add3A_92 : i32 to index
      %get3A_93 = tpu.vector_load %arg21[%get3A] {strides = array<i32>} : memref<1024xf32, #tpu.memory_space<vmem>>, vector<16xf32>,
      %mul3A_94 = arith.constant 16 : i32
      %mul3A_95 = arith.muli %scan3A_88, %mul3A_94 : i32
      %swap3A = arith.constant 5 : i32
      %swap3A_96 = arith.index_cast %swap3A : i32 to index
      %swap3A_97 = arith.index_cast %mul3A_95 : i32 to index
      %swap3A_98 = tpu.vector_load %arg24[%swap3A_96, %swap3A_97] {strides = array<i32>} : memref<8x128xf32, #tpu.memory_space<vmem>>, vector<16xf32>,
      tpu.vector_store %arg24[%swap3A_96, %swap3A_97], %get3A_93 {strides = array<i32>} : memref<8x128xf32, #tpu.memory_space<vmem>>, vector<16xf32>,
    }
    %scan3A_71 = arith.constant 8 : i32
    %scan3A_72 = arith.constant 0 : i32
    %scan3A_73 = arith.constant 0 : i32
    %scan3A_74 = arith.constant 8 : i32
    %scan3A_75 = arith.addi %scan3A_73, %scan3A_74 : i32
    %scan3A_76 = arith.constant 1 : i32
    scf.for %scan3A_88 = %scan3A_73 to %scan3A_75 step %scan3A_76  : i32 {
      %mul3A_89 = arith.constant 16 : i32
      %mul3A_90 = arith.muli %scan3A_88, %mul3A_89 : i32
      %add3A_91 = arith.constant 768 : i32
      %add3A_92 = arith.addi %add3A_91, %mul3A_90 : i32
      %get3A = arith.index_cast %add3A_92 : i32 to index
      %get3A_93 = tpu.vector_load %arg21[%get3A] {strides = array<i32>} : memref<1024xf32, #tpu.memory_space<vmem>>, vector<16xf32>,
      %mul3A_94 = arith.constant 16 : i32
      %mul3A_95 = arith.muli %scan3A_88, %mul3A_94 : i32
      %swap3A = arith.constant 6 : i32
      %swap3A_96 = arith.index_cast %swap3A : i32 to index
      %swap3A_97 = arith.index_cast %mul3A_95 : i32 to index
      %swap3A_98 = tpu.vector_load %arg24[%swap3A_96, %swap3A_97] {strides = array<i32>} : memref<8x128xf32, #tpu.memory_space<vmem>>, vector<16xf32>,
      tpu.vector_store %arg24[%swap3A_96, %swap3A_97], %get3A_93 {strides = array<i32>} : memref<8x128xf32, #tpu.memory_space<vmem>>, vector<16xf32>,
    }
    %scan3A_77 = arith.constant 8 : i32
    %scan3A_78 = arith.constant 0 : i32
    %scan3A_79 = arith.constant 0 : i32
    %scan3A_80 = arith.constant 8 : i32
    %scan3A_81 = arith.addi %scan3A_79, %scan3A_80 : i32
    %scan3A_82 = arith.constant 1 : i32
    scf.for %scan3A_88 = %scan3A_79 to %scan3A_81 step %scan3A_82  : i32 {
      %mul3A_89 = arith.constant 16 : i32
      %mul3A_90 = arith.muli %scan3A_88, %mul3A_89 : i32
      %add3A_91 = arith.constant 896 : i32
      %add3A_92 = arith.addi %add3A_91, %mul3A_90 : i32
      %get3A = arith.index_cast %add3A_92 : i32 to index
      %get3A_93 = tpu.vector_load %arg21[%get3A] {strides = array<i32>} : memref<1024xf32, #tpu.memory_space<vmem>>, vector<16xf32>,
      %mul3A_94 = arith.constant 16 : i32
      %mul3A_95 = arith.muli %scan3A_88, %mul3A_94 : i32
      %swap3A = arith.constant 7 : i32
      %swap3A_96 = arith.index_cast %swap3A : i32 to index
      %swap3A_97 = arith.index_cast %mul3A_95 : i32 to index
      %swap3A_98 = tpu.vector_load %arg24[%swap3A_96, %swap3A_97] {strides = array<i32>} : memref<8x128xf32, #tpu.memory_space<vmem>>, vector<16xf32>,
      tpu.vector_store %arg24[%swap3A_96, %swap3A_97], %get3A_93 {strides = array<i32>} : memref<8x128xf32, #tpu.memory_space<vmem>>, vector<16xf32>,
    }
    %scan3A_83 = arith.constant 8 : i32
    %mul3A_84 = arith.constant 16 : i32
    %mul3A_85 = arith.muli %arg0, %mul3A_84 : i32
    %add3A = arith.addi %mul3A_85, %arg1 : i32
    %mul3A_86 = arith.constant 8 : i32
    %mul3A_87 = arith.muli %add3A, %mul3A_86 : i32
    "tpu.region"() ({
      %run_scoped3A = tpu.sem_alloc : memref<!tpu.dma_semaphore, #tpu.memory_space<semaphore_mem>>
      %dma_start3A = arith.constant 0 : i32
      %dma_start3A_88 = tpu.memref_slice %arg11[%mul3A_87, %dma_start3A] : memref<256x128xf32, #tpu.memory_space<hbm>> -> memref<8x128xf32, #tpu.memory_space<hbm>>
      %dma_start3A_89 = arith.constant 0 : i32
      %dma_start3A_90 = tpu.memref_slice %arg11[%mul3A_87, %dma_start3A_89] : memref<256x128xf32, #tpu.memory_space<hbm>> -> memref<8x128xf32, #tpu.memory_space<hbm>>
      tpu.enqueue_dma source(%arg24 : memref<8x128xf32, #tpu.memory_space<vmem>>) target(%dma_start3A_90 : memref<8x128xf32, #tpu.memory_space<hbm>>) target_semaphore(%run_scoped3A : memref<!tpu.dma_semaphore, #tpu.memory_space<semaphore_mem>>)
      %dma_wait3A = arith.constant 0 : i32
      %dma_wait3A_91 = tpu.memref_slice %arg11[%mul3A_87, %dma_wait3A] : memref<256x128xf32, #tpu.memory_space<hbm>> -> memref<8x128xf32, #tpu.memory_space<hbm>>
      %dma_wait3A_92 = arith.constant 0 : i32
      %dma_wait3A_93 = tpu.memref_slice %arg11[%mul3A_87, %dma_wait3A_92] : memref<256x128xf32, #tpu.memory_space<hbm>> -> memref<8x128xf32, #tpu.memory_space<hbm>>
      tpu.wait_dma2 semaphore(%run_scoped3A : memref<!tpu.dma_semaphore, #tpu.memory_space<semaphore_mem>>) src(%arg24 : memref<8x128xf32, #tpu.memory_space<vmem>>) dst(%dma_wait3A_93 : memref<8x128xf32, #tpu.memory_space<hbm>>)
      tpu.yield
    }) : () -> ()
    return
  }
}

</mosaic_0001>

<sc_bundles>
// kernel: _mf_sc.3.cloned.1.call-start
scs
__scs_entry_jumppad:
0x0: {  	(pc) =	sbr.rel $0x88, $3  }
0x1: {  	(tag) =	ssettag $0x0;
	lr =	simm.s32 $0x1  }
0x2: {  	[smem:$0x3F98] =	sst lr;
	_ =	strace $0xD0000000  }
0x3: {  	_ = 	snop  }
0x4: {  	_ = 	snop  }
0x5: {  	_ = 	snop  }
0x6: {  	_ = 	snop  }
0x7: {  	_ = 	snop  }
__scs_overlays_trampoline_lowered:
0x8: {  	[smem:$0x3FA7] =	sst s0  }
0x9: {  	[smem:$0x3FA8] =	sst s1  }
0xa: {  	[smem:$0x3FA9] =	sst s2  }
0xb: {  	[smem:$0x3FAA] =	sst s3  }
0xc: {  	[smem:$0x3FAB] =	sst s4  }
0xd: {  	[smem:$0x3FAC] =	sst s5  }
0xe: {  	[smem:$0x3FAD] =	sst s6  }
0xf: {  	[smem:$0x3FAE] =	sst s7  }
0x10: {  	[smem:$0x3FAF] =	sst s8  }
0x11: {  	[smem:$0x3FB0] =	sst s9;
	s0 =	simm.s32 @!p0 $0x0  }
0x12: {  	s1 =	sld [smem:$0x3F96];
	s0 =	simm.s32 @p0 $0x1  }
0x13: {  	[smem:$0x3FB1] =	sst s0;
	s0 =	simm.s32 @!p1 $0x0  }
0x14: {  	s2 =	sld [smem:$0x3F95];
	s0 =	simm.s32 @p1 $0x1  }
0x15: {  	[smem:$0x3FB2] =	sst s0;
	s0 =	simm.s32 @!p2 $0x0  }
0x16: {  	s3 =	sld [smem:$0x3FDB];
	s0 =	simm.s32 @p2 $0x1  }
0x17: {  	s4 =	simm.s32 $0x1BF5;
	[smem:$0x3FB4] =	sst s0  }
0x18: {  	s0 =	sld [smem:$0x3F97];
	_ =	swait.ge [sflag:s4], $0x0  }
0x19: {  	s7 =	sld [smem:$0x3F98]  }
0x1a: {  	s8 =	sadd.s32 $0xFFFFE003, lr  }
0x1b: {  	s9 =	sadd.s32 $0xFFFFFEF7, lr;
	s5 =	simm.s32 $0xFFFFFFFF;
	p2 =	slt.u32 s8, $0xFFFFF086  }
0x1c: {  	p1 =	slt.u32 s9, $0xF7A;
	s5 =	simm.s32 @!p2 $0x0  }
0x1d: {  	s5 =	simm.s32 @p1 $0x1;
	p0 =	seq.s32 s7, s2  }
0x1e: {  	s7 =	smul.u32 @!p0 $0xF7A, s2;
	p2 =	seq.s32 @!p0 s5, $0x0  }
0x1f: {  	s9 =	smul.u32 $0xF7A, s1;
	s8 =	simm.s32 @!p0 $0x1BF5;
	p2 =	por !p2, p0  }
0x20: {  	[sflag:s8] =	ssyncset.s32 @!p0 $0xFFFFF086;
	s6 =	sadd.s32 @!p0 s3, s7;
	s7 =	simm.s32 @!p0 $0x108  }
0x21: {  	s3 =	sadd.s32 s3, s9;
	s6 =	sadd.s32 @!p0 $0x88, s6;
	s7 =	simm.s32 @p2 $0x1082  }
0x22: {  	[simem:s7], [sflag:s8] =	dma.local @!p0 [hbm:s6], $0xF7A  }
0x23: {  	s9 =	sor.u32 $0xD0000000, s2;
	s6 =	simm.s32 $0x108;
	_ =	swait.ge @!p0 [sflag:s8], $0x0  }
0x24: {  	s3 =	sadd.s32 $0x88, s3;
	s6 =	simm.s32 @!p1 $0x1082;
	[sflag:s4] =	ssyncset.s32 $0xFFFFF086  }
0x25: {  	[simem:s6], [sflag:s4] =	dma.local [hbm:s3], $0xF7A  }
0x26: {  	[smem:$0x3F98] =	sst s1;
	(tag) =	ssettag s2;
	_ =	strace s9  }
0x27: {  	s1 =	sld [smem:$0x3FA8]  }
0x28: {  	s2 =	sld [smem:$0x3FA9]  }
0x29: {  	s4 =	sld [smem:$0x3FAB]  }
0x2a: {  	p0 =	seq.s32 s5, $0x0;
	s5 =	sld [smem:$0x3FAC]  }
0x2b: {  	s6 =	sld [smem:$0x3FAD]  }
0x2c: {  	s7 =	sld [smem:$0x3FAE]  }
0x2d: {  	s3 =	simm.s32 $0x108;
	s8 =	sld [smem:$0x3FAF]  }
0x2e: {  	s3 =	simm.s32 @!p0 $0x1082;
	s9 =	sld [smem:$0x3FB0]  }
0x2f: {  	lr =	sadd.s32 s0, s3;
	s0 =	sld [smem:$0x3FA7]  }
0x30: {  	s3 =	sld [smem:$0x3FAA]  }
0x31: {  	[smem:$0x3FB3] =	sst s10  }
0x32: {  	s10 =	sld [smem:$0x3FB1];
	_ =	sdelay $0x3  }
0x33: {  	p0 =	seq.s32 s10, $0x1;
	s10 =	sld [smem:$0x3FB3];
	_ =	sdelay $0x3  }
0x34: {  	[smem:$0x3FB3] =	sst s10  }
0x35: {  	s10 =	sld [smem:$0x3FB2];
	_ =	sdelay $0x3  }
0x36: {  	p1 =	seq.s32 s10, $0x1;
	s10 =	sld [smem:$0x3FB3];
	_ =	sdelay $0x3  }
0x37: {  	[smem:$0x3FB3] =	sst s10  }
0x38: {  	s10 =	sld [smem:$0x3FB4]  }
0x39: {  	_ = 	snop;
	(pc) =	sbr.ind lr, $3  }
0x3a: {  	_ = 	snop  }
0x3b: {  	_ = 	snop  }
0x3c: {  	p2 =	seq.s32 s10, $0x1;
	s10 =	sld [smem:$0x3FB3]  }
0x3d: {  	_ =	shalt  }
0x3e: {  	_ =	shalt  }
0x3f: {  	_ =	shalt  }
0x40: {  	_ =	shalt  }
0x41: {  	_ =	shalt  }
0x42: {  	_ =	shalt  }
0x43: {  	_ =	shalt  }
0x44: {  	_ =	shalt  }
0x45: {  	_ =	shalt  }
0x46: {  	_ =	shalt  }
0x47: {  	_ =	shalt  }
0x48: {  	_ =	shalt  }
0x49: {  	_ =	shalt  }
0x4a: {  	_ =	shalt  }
0x4b: {  	_ =	shalt  }
0x4c: {  	_ =	shalt  }
0x4d: {  	_ =	shalt  }
0x4e: {  	_ =	shalt  }
0x4f: {  	_ =	shalt  }
0x50: {  	_ =	shalt  }
0x51: {  	_ =	shalt  }
0x52: {  	_ =	shalt  }
0x53: {  	_ =	shalt  }
0x54: {  	_ =	shalt  }
0x55: {  	_ =	shalt  }
0x56: {  	_ =	shalt  }
0x57: {  	_ =	shalt  }
0x58: {  	_ =	shalt  }
0x59: {  	_ =	shalt  }
0x5a: {  	_ =	shalt  }
0x5b: {  	_ =	shalt  }
0x5c: {  	_ =	shalt  }
0x5d: {  	_ =	shalt  }
0x5e: {  	_ =	shalt  }
0x5f: {  	_ =	shalt  }
0x60: {  	_ =	shalt  }
0x61: {  	_ =	shalt  }
0x62: {  	_ =	shalt  }
0x63: {  	_ =	shalt  }
0x64: {  	_ =	shalt  }
0x65: {  	_ =	shalt  }
0x66: {  	_ =	shalt  }
0x67: {  	_ =	shalt  }
0x68: {  	_ =	shalt  }
0x69: {  	_ =	shalt  }
0x6a: {  	_ =	shalt  }
0x6b: {  	_ =	shalt  }
0x6c: {  	_ =	shalt  }
0x6d: {  	_ =	shalt  }
0x6e: {  	_ =	shalt  }
0x6f: {  	_ =	shalt  }
0x70: {  	_ =	shalt  }
0x71: {  	_ =	shalt  }
0x72: {  	_ =	shalt  }
0x73: {  	_ =	shalt  }
0x74: {  	_ =	shalt  }
0x75: {  	_ =	shalt  }
0x76: {  	_ =	shalt  }
0x77: {  	_ =	shalt  }
0x78: {  	_ =	shalt  }
0x79: {  	_ =	shalt  }
0x7a: {  	_ =	shalt  }
0x7b: {  	_ =	shalt  }
0x7c: {  	_ =	shalt  }
0x7d: {  	_ =	shalt  }
0x7e: {  	_ =	shalt  }
0x7f: {  	_ =	shalt  }
0x80: {  	_ =	shalt  }
0x81: {  	_ =	shalt  }
0x82: {  	_ =	shalt  }
0x83: {  	_ =	shalt  }
0x84: {  	_ =	shalt  }
0x85: {  	_ =	shalt  }
0x86: {  	_ =	shalt  }
0x87: {  	_ =	shalt  }
.Lfunc_end0:
.L_simem_size_0:
called_computation_lowered:
.L_overlay_start_0:
0x88: {  	s2 =	sld [smem:$0x3FD9]  }
0x89: {  	s3 =	sld [smem:$0x3FFE];
	_ =	sdelay $0x1  }
0x8a: {  	s1 =	srdreg.scid  }
0x8b: {  	s0 =	sand.u32 $0x1, s1  }
0x8c: {  	s18 =	sshll.u32 s0, $0xA;
	s2 =	sadd.s32 s3, s2  }
0x8d: {  	s2 =	sadd.s32 s2, s18  }
0x8e: {  	[smem:$0x3FBF] =	sst s2  }
0x8f: {  	_ = 	snop  }
0x90: {  	s2 =	sld [smem:$0x3FC9]  }
0x91: {  	s19 =	sld [smem:$0x3FC8]  }
0x92: {  	s4 =	sld [smem:$0x3FC7]  }
0x93: {  	s5 =	sld [smem:$0x3FC6]  }
0x94: {  	s6 =	sld [smem:$0x3FC5]  }
0x95: {  	s7 =	sld [smem:$0x3FC4]  }
0x96: {  	s8 =	sld [smem:$0x3FC3]  }
0x97: {  	s9 =	sld [smem:$0x3FC2]  }
0x98: {  	s10 =	sld [smem:$0x3FC1]  }
0x99: {  	s11 =	sld [smem:$0x3FD0];
	(tm) =	ssettm $0x1  }
0x9a: {  	s12 =	sld [smem:$0x3FFB];
	_ =	sdelay $0x3  }
0x9b: {  	_ =	strace s12  }
0x9c: {  	s12 =	sld [smem:$0x3FFC];
	_ =	sdelay $0x3  }
0x9d: {  	_ =	strace s12  }
0x9e: {  	s12 =	sld [smem:$0x3FFD];
	_ =	sdelay $0x3  }
0x9f: {  	_ =	strace s12  }
0xa0: {  	_ =	strace $0x8FFFFFFF  }
0xa1: {  	s20 =	sld [smem:$0x3FDB];
	_ =	sdelay $0x1  }
0xa2: {  	s13 =	simm.s32 $_scs_section_size  }
0xa3: {  	s14 =	simm.s32 $_size__tile_overlayer_lowered;
	s15 =	simm.s32 $_tile_overlayer_lowered  }
0xa4: {  	s23 =	simm.s32 $0x1BFF;
	s22 =	sshll.u32 s15, $0x1;
	s12 =	sadd.s32 s13, s20  }
0xa5: {  	s16 =	simm.s32 $0x0;
	s21 =	sshll.u32 s14, $0x1;
	s14 =	sadd.s32 s22, s12  }
0xa6: {  	[timem:s16], [sflag:s23] =	dma.local [hbm:s14], s21  }
0xa7: {  	_ =	swait.ge [sflag:s23], s21  }
0xa8: {  	s13 =	ssub.s32 $0x0, s21;
	[sflag:s23] =	ssyncset.done $0x0  }
0xa9: {  	[sflag:s23] =	ssyncadd.s32 s13;
	_ =	sdelay $0x1  }
0xaa: {  	s24 =	simm.s32 $0x1B8B  }
0xab: {  	_ =	swait.ge [sflag:s24], $0x1  }
0xac: {  	[sflag:s24] =	ssyncset.done $0x0  }
0xad: {  	s25 =	simm.s32 $0x1B8E;
	[sflag:s24] =	ssyncadd.s32 $0xFFFFFFFF  }
0xae: {  	s26 =	simm.s32 $execute0_lowered;
	[smem:$0x3FD2] =	sst s25  }
0xaf: {  	s13 =	sshll.u32 s26, $0x1;
	_ =	strace $0x80000046;
	[dreg:$0x1] =	wrdreg $0xFFFFFFFF  }
0xb0: {  	s28 =	simm.s32 $_size_execute0_lowered;
	s12 =	sadd.s32 s12, s13;
	[dreg:$0x0] =	wrdreg $0x0  }
0xb1: {  	s13 =	sshll.u32 s28, $0x1;
	[dreg:$0x2] =	wrdreg s12  }
0xb2: {  	[dreg:$0x3] =	wrdreg s13  }
0xb3: {  	[dreg:$0x4] =	wrdreg $0xC0  }
0xb4: {  	_ =	task [dreg:s16], $0x5FFFF  }
0xb5: {  	[dreg:$0x1] =	wrdreg $0xFFFFFFFF  }
0xb6: {  	[dreg:$0x0] =	wrdreg $0x60  }
0xb7: {  	[dreg:$0x2] =	wrdreg s2  }
0xb8: {  	[dreg:$0x3] =	wrdreg s19  }
0xb9: {  	[dreg:$0x4] =	wrdreg s4  }
0xba: {  	[dreg:$0x5] =	wrdreg s5  }
0xbb: {  	[dreg:$0x6] =	wrdreg s6  }
0xbc: {  	[dreg:$0x7] =	wrdreg s7  }
0xbd: {  	[dreg:$0x8] =	wrdreg s8  }
0xbe: {  	[dreg:$0x9] =	wrdreg s9  }
0xbf: {  	[dreg:$0xa] =	wrdreg s10  }
0xc0: {  	[dreg:$0xb] =	wrdreg s11  }
0xc1: {  	[dreg:$0xc] =	wrdreg $0xF8800  }
0xc2: {  	[dreg:$0xd] =	wrdreg $0x9  }
0xc3: {  	_ =	task.clear_ibuf [dreg:s16], $0xEFFFF;
	_ =	strace $0x90000046  }
0xc4: {  	s29 =	simm.s32 $0x9;
	_ =	strace $0x80000048  }
0xc5: {  	_ =	swait.ge [sflag:s29], $0x1  }
0xc6: {  	[sflag:s29] =	ssyncadd.s32 $0xFFFFFFFF  }
0xc7: {  	_ =	strace $0x90000048  }
0xc8: {  	_ =	sfence  }
0xc9: {  	s30 =	sld [smem:$0x0];
	_ =	sdelay $0x2  }
0xca: {  	s31 =	sshll.u32 s1, $0xD;
	s1 =	sshrl.u32 s1, $0x2  }
0xcb: {  	s3 =	sand.u32 $0x4000, s31;
	s1 =	sadd.s32 s1, s30  }
0xcc: {  	s0 =	sor.u32 s3, s0;
	s1 =	sshll.u32 s1, $0x11  }
0xcd: {  	s0 =	sor.u32 s1, s0  }
0xce: {  	s0 =	sadd.s32 $0x8F2B, s0  }
0xcf: {  	[sflag:s0] =	ssyncadd.remote.s32 $0x1  }
0xd0: {  	_ =	sfence.sel $0xFFFF  }
0xd1: {  	[dreg:$0x0] =	wrdreg $0xFFFFFFFF;
	(pc) =	sbr.abs _section_cstart, $3  }
0xd2: {  	[dreg:$0x1] =	wrdreg $0xFFFFFFFF  }
0xd3: {  	_ =	task.clear_ibuf [dreg:s16], $0x2FFFF;
	_ =	strace $0x9FFFFFFF  }
0xd4: {  	(tm) =	ssettm $0x7FFFFFFF  }
0xd5: {  	_ =	shalt  }
tec
execute0_lowered:
.L_overlay_start_1:
0x0: {  	(tag) =	ssettag $0x1  }
0x1: {  	s0 =	rddreg [dreg:$0x5]  }
0x2: {  	s1 =	rddreg [dreg:$0x6]  }
0x3: {  	s2 =	rddreg [dreg:$0x7]  }
0x4: {  	s3 =	rddreg [dreg:$0x9]  }
0x5: {  	s7 =	rddreg [dreg:$0xa];
	s11 =	simm.s32 $0x0  }
0x6: {  	s4 =	srdreg.scid;
	s12 =	stileid.u32;
	s29 =	simm.s32 $0x1700  }
0x7: {  	s30 =	simm.s32 $0xE880;
	s4 =	sand.u32 $0x1, s4;
	s5 =	sshll.u32 s12, $0xA  }
0x8: {  	s6 =	sshll.u32 s12, $0x7;
	[smem:$0x7FF] =	sst s11;
	s10 =	smul.u32 $0xF400, s12  }
0x9: {  	p0 =	sne.s32 s12, $0x0;
	s12 =	simm.s32 $0x2;
	s8 =	ssub.s32 $0x2, s4  }
0xa: {  	s6 =	sor.u32 s6, s5;
	_ =	strace $0x80000047;
	s14 =	sshll.u32 s4, $0x5  }
0xb: {  	s23 =	sshll.u32 s4, $0xE;
	p1 =	seq.s32 s4, $0x1;
	s20 =	sshll.u32 s4, $0xB  }
0xc: {  	s4 =	simm.s32 $0xE280;
	s9 =	sshrl.u32 s8, $0x1;
	s6 =	sand.u32 $0x2380, s6  }
0xd: {  	s15 =	sadd.s32 $0x3D00, s10;
	s24 =	sadd.s32 s10, s7;
	s16 =	sadd.s32 $0x7A00, s10  }
0xe: {  	s17 =	sadd.s32 $0xB700, s10;
	s8 =	ssub.s32 s8, s9;
	s6 =	sshrl.u32 s6, $0x3  }
0xf: {  	s25 =	sadd.s32 s15, s7;
	s26 =	sadd.s32 s16, s7;
	s28 =	sadd.s32 s17, s7  }
0x10: {  	s9 =	simm.s32 $0xE380;
	s0 =	sadd.s32 s0, s6;
	s21 =	sadd.s32 s1, s6  }
0x11: {  	s22 =	sadd.s32 s2, s6;
	s31 =	smax.u32 s8, $0x1;
	[dreg:$0xc] =	wrdreg s0  }
0x12: {  	s1 =	simm.s32 $0x1;
	s6 =	simm.s32 $0x10;
	[dreg:$0xd] =	wrdreg s21  }
0x13: {  	s2 =	simm.s32 $0x1780;
	s8 =	simm.s32 $0x0;
	[dreg:$0xe] =	wrdreg s22  }
.Ltmp0:
0x14: {  	s0 =	sor.u32 s5, s23;
	[dreg:$0x10] =	wrdreg s31;
	(pc) =	sbr.rel .LBB2_1-.Ltmp0, $4  }
0x15: {  	s21 =	sshrl.u32 s24, $0x3;
	s22 =	sshrl.u32 s25, $0x3;
	s0 =	sshrl.u32 s0, $0x3  }
0x16: {  	s23 =	sshrl.u32 s26, $0x3;
	s24 =	sshrl.u32 s28, $0x3;
	s0 =	sadd.s32 s3, s0  }
0x17: {  	v2 =	vlaneseq.u32;
	s26 =	simm.s32 $0x80;
	[dreg:$0xf] =	wrdreg s0;
	s0 =	sadd.s32 $0xF4000, s7  }
0x18: {  	v0 =	vimm.f32 $0.0e+00;
	v1 =	vimm.f32 $1.000000000e+00;
	v2 =	vmul.u32 $0x80, v2;
	s5 =	simm.s32 $0x9C00;
	s25 =	sshrl.u32 @!p0 s0, $0x3;
	s0 =	simm.s32 $0xE300  }
.LBB2_29:
0x19: {  	v3 =	vld [tilespmem:$0xDC00]  }
0x1a: {  	v4 =	vld [tilespmem:$0xDC10]  }
0x1b: {  	v5 =	vld [tilespmem:$0xDC20]  }
0x1c: {  	v6 =	vld [tilespmem:$0xDC30]  }
0x1d: {  	v7 =	vld [tilespmem:$0xDC40]  }
0x1e: {  	v17 =	vld [tilespmem:$0xDC60];
	[tilespmem:$0xE480] =	vst v3  }
0x1f: {  	v18 =	vld [tilespmem:$0xDC70];
	[tilespmem:$0xE490] =	vst v4  }
0x20: {  	v19 =	vld [tilespmem:$0xDC80];
	[tilespmem:$0xE4A0] =	vst v5  }
0x21: {  	v3 =	vld [tilespmem:$0xDC50];
	[tilespmem:$0xE4B0] =	vst v6  }
0x22: {  	v20 =	vld [tilespmem:$0xDC90];
	[tilespmem:$0xE4C0] =	vst v7  }
0x23: {  	v21 =	vld [tilespmem:$0xDCB0];
	[tilespmem:$0xE4E0] =	vst v17  }
0x24: {  	v22 =	vld [tilespmem:$0xDCC0];
	[tilespmem:$0xE4F0] =	vst v18  }
0x25: {  	v23 =	vld [tilespmem:$0xDCD0];
	[tilespmem:$0xE500] =	vst v19  }
0x26: {  	[tilespmem:$0xE4D0] =	vst v3;
	v3 =	vld [tilespmem:$0xDCA0]  }
0x27: {  	v24 =	vld [tilespmem:$0xDCE0];
	[tilespmem:$0xE510] =	vst v20  }
0x28: {  	v25 =	vld [tilespmem:$0xDD00];
	[tilespmem:$0xE530] =	vst v21  }
0x29: {  	v26 =	vld [tilespmem:$0xDD10];
	[tilespmem:$0xE540] =	vst v22  }
0x2a: {  	v27 =	vld [tilespmem:$0xDD20];
	[tilespmem:$0xE550] =	vst v23  }
0x2b: {  	[tilespmem:$0xE520] =	vst v3;
	v3 =	vld [tilespmem:$0xDCF0]  }
0x2c: {  	v28 =	vld [tilespmem:$0xDD30];
	[tilespmem:$0xE560] =	vst v24  }
0x2d: {  	v29 =	vld [tilespmem:$0xDD50];
	[tilespmem:$0xE580] =	vst v25  }
0x2e: {  	v30 =	vld [tilespmem:$0xDD60];
	[tilespmem:$0xE590] =	vst v26  }
0x2f: {  	v31 =	vld [tilespmem:$0xDD70];
	[tilespmem:$0xE5A0] =	vst v27  }
0x30: {  	[tilespmem:$0xE570] =	vst v3;
	v3 =	vld [tilespmem:$0xDD40]  }
0x31: {  	v32 =	vld [tilespmem:$0xDD80];
	[tilespmem:$0xE5B0] =	vst v28  }
0x32: {  	v33 =	vld [tilespmem:$0xDDA0];
	[tilespmem:$0xE5D0] =	vst v29  }
0x33: {  	v34 =	vld [tilespmem:$0xDDB0];
	[tilespmem:$0xE5E0] =	vst v30  }
0x34: {  	v35 =	vld [tilespmem:$0xDDC0];
	[tilespmem:$0xE5F0] =	vst v31  }
0x35: {  	[tilespmem:$0xE5C0] =	vst v3;
	v3 =	vld [tilespmem:$0xDD90]  }
0x36: {  	v36 =	vld [tilespmem:$0xDDD0];
	[tilespmem:$0xE600] =	vst v32  }
0x37: {  	v37 =	vld [tilespmem:$0xDDF0];
	[tilespmem:$0xE620] =	vst v33  }
0x38: {  	v38 =	vld [tilespmem:$0xDE00];
	[tilespmem:$0xE630] =	vst v34  }
0x39: {  	v39 =	vld [tilespmem:$0xDE10];
	[tilespmem:$0xE640] =	vst v35  }
0x3a: {  	[tilespmem:$0xE610] =	vst v3;
	v3 =	vld [tilespmem:$0xDDE0]  }
0x3b: {  	v40 =	vld [tilespmem:$0xDE20];
	[tilespmem:$0xE650] =	vst v36  }
0x3c: {  	v41 =	vld [tilespmem:$0xDE40];
	[tilespmem:$0xE670] =	vst v37  }
0x3d: {  	v42 =	vld [tilespmem:$0xDE50];
	[tilespmem:$0xE680] =	vst v38  }
0x3e: {  	v43 =	vld [tilespmem:$0xDE60];
	[tilespmem:$0xE690] =	vst v39  }
0x3f: {  	[tilespmem:$0xE660] =	vst v3;
	v3 =	vld [tilespmem:$0xDE30]  }
0x40: {  	v44 =	vld [tilespmem:$0xDE70];
	[tilespmem:$0xE6A0] =	vst v40  }
0x41: {  	v45 =	vld [tilespmem:$0xDE90];
	[tilespmem:$0xE6C0] =	vst v41  }
0x42: {  	v46 =	vld [tilespmem:$0xDEA0];
	[tilespmem:$0xE6D0] =	vst v42  }
0x43: {  	v47 =	vld [tilespmem:$0xDEB0];
	[tilespmem:$0xE6E0] =	vst v43  }
0x44: {  	[tilespmem:$0xE6B0] =	vst v3;
	v3 =	vld [tilespmem:$0xDE80]  }
0x45: {  	v48 =	vld [tilespmem:$0xDEC0];
	[tilespmem:$0xE6F0] =	vst v44  }
0x46: {  	v49 =	vld [tilespmem:$0xDEE0];
	[tilespmem:$0xE710] =	vst v45  }
0x47: {  	v50 =	vld [tilespmem:$0xDEF0];
	[tilespmem:$0xE720] =	vst v46  }
0x48: {  	v51 =	vld [tilespmem:$0xDF00];
	[tilespmem:$0xE730] =	vst v47  }
0x49: {  	[tilespmem:$0xE700] =	vst v3;
	v3 =	vld [tilespmem:$0xDED0]  }
0x4a: {  	v52 =	vld [tilespmem:$0xDF10];
	[tilespmem:$0xE740] =	vst v48  }
0x4b: {  	v53 =	vld [tilespmem:$0xDF30];
	[tilespmem:$0xE760] =	vst v49  }
0x4c: {  	v54 =	vld [tilespmem:$0xDF40];
	[tilespmem:$0xE770] =	vst v50  }
0x4d: {  	v55 =	vld [tilespmem:$0xDF50];
	[tilespmem:$0xE780] =	vst v51  }
0x4e: {  	[tilespmem:$0xE750] =	vst v3;
	v3 =	vld [tilespmem:$0xDF20]  }
0x4f: {  	v56 =	vld [tilespmem:$0xDF60];
	[tilespmem:$0xE790] =	vst v52  }
0x50: {  	v57 =	vld [tilespmem:$0xDF80];
	[tilespmem:$0xE7B0] =	vst v53  }
0x51: {  	v58 =	vld [tilespmem:$0xDF90];
	[tilespmem:$0xE7C0] =	vst v54  }
0x52: {  	v59 =	vld [tilespmem:$0xDFA0];
	[tilespmem:$0xE7D0] =	vst v55  }
0x53: {  	[tilespmem:$0xE7A0] =	vst v3;
	v3 =	vld [tilespmem:$0xDF70]  }
0x54: {  	v60 =	vld [tilespmem:$0xDFB0];
	[tilespmem:$0xE7E0] =	vst v56  }
0x55: {  	v61 =	vld [tilespmem:$0xDFD0];
	[tilespmem:$0xE800] =	vst v57  }
0x56: {  	v62 =	vld [tilespmem:$0xDFE0];
	[tilespmem:$0xE810] =	vst v58  }
0x57: {  	v63 =	vld [tilespmem:$0xDFF0];
	[tilespmem:$0xE820] =	vst v59  }
0x58: {  	[tilespmem:$0xE7F0] =	vst v3;
	v3 =	vld [tilespmem:$0xDFC0]  }
0x59: {  	[tilespmem:$0xE830] =	vst v60  }
0x5a: {  	[tilespmem:$0xE850] =	vst v61  }
0x5b: {  	[tilespmem:$0xE860] =	vst v62  }
0x5c: {  	s11 =	simm.s32 $0x0;
	[tilespmem:$0xE870] =	vst v63  }
0x5d: {  	s3 =	rddreg [dreg:$0xf];
	s8 =	simm.s32 $0xE480;
	s12 =	simm.s32 $0x2;
	[tilespmem:$0xE840] =	vst v3  }
0x5e: {  	[hbm4b:s3+s11] =	stream.linear.scatter [tilespmem:s8], [sflag:$0x2], $0x400, $0x38;
	[tilespmem:$0x1ECA0] =	vst v63  }
0x5f: {  	_ =	swait.ge [sflag:s12], $0x400  }
0x60: {  	s28 =	rddreg [dreg:$0x11]  }
0x61: {  	s31 =	rddreg [dreg:$0x10];
	s8 =	sadd.s32 $0x1, s28  }
0x62: {  	p2 =	sne.s32 s8, s31  }
.Ltmp1:
0x63: {  	_ = 	snop;
	(pc) =	sbr.rel @!p2 .LBB2_30-.Ltmp1, $3  }
0x64: {  	_ =	sdelay $0x1  }
0x65: {  	[sflag:s12] =	ssyncset.done $0x0  }
0x66: {  	[sflag:s12] =	ssyncadd.s32 $0xFFFFFC00  }
.LBB2_1:
0x67: {  	[dreg:$0x11] =	wrdreg s8  }
0x68: {  	s3 =	rddreg [dreg:$0xc];
	s31 =	simm.s32 $0x400  }
0x69: {  	[tilespmem:s11], [sflag:$0x2] =	stream.strided.gather [hbm4b:s3+s26], $0x400, s31, s26, $0x38;
	[tilespmem:$0x1ECA0] =	vst v63  }
0x6a: {  	_ =	swait.ge [sflag:s12], $0x400  }
0x6b: {  	[sflag:s12] =	ssyncset.done $0x0  }
0x6c: {  	s18 =	rddreg [dreg:$0xd];
	[sflag:s12] =	ssyncadd.s32 $0xFFFFFC00  }
0x6d: {  	[tilespmem:s31], [sflag:$0x2] =	stream.strided.gather [hbm4b:s18+s26], $0x400, s31, s26, $0x38;
	[tilespmem:$0x1ECA0] =	vst v63  }
0x6e: {  	_ =	swait.ge [sflag:s12], $0x400  }
0x6f: {  	[sflag:s12] =	ssyncset.done $0x0  }
0x70: {  	s13 =	simm.s32 $0x800;
	s19 =	rddreg [dreg:$0xe];
	[sflag:s12] =	ssyncadd.s32 $0xFFFFFC00  }
0x71: {  	[tilespmem:s13], [sflag:$0x2] =	stream.strided.gather [hbm4b:s19+s26], $0x400, s31, s26, $0x38;
	[tilespmem:$0x1ECA0] =	vst v63  }
0x72: {  	_ =	swait.ge [sflag:s12], $0x400  }
0x73: {  	[sflag:s12] =	ssyncset.done $0x0  }
0x74: {  	[sflag:s12] =	ssyncadd.s32 $0xFFFFFC00  }
0x75: {  	s31 =	simm.s32 $0xE400;
	s28 =	rddreg [dreg:$0x8]  }
0x76: {  	[tilespmem:s31], [sflag:$0x2] =	stream.linear.gather [hbm4b:s28+s11], $0x80, $0x38;
	[tilespmem:$0x1ECA0] =	vst v63  }
0x77: {  	_ =	swait.ge [sflag:s12], $0x80  }
0x78: {  	[sflag:s12] =	ssyncset.done $0x0  }
0x79: {  	s3 =	simm.s32 $0x0;
	[sflag:s12] =	ssyncadd.s32 $0xFFFFFF80  }
0x7a: {  	v3 =	vld [tilespmem:s3+$0x0]  }
0x7b: {  	v4 =	vld [tilespmem:s3+$0x400];
	_ =	sdelay $0x2  }
0x7c: {  	s8 =	simm.s32 $0x40;
	[tilespmem:s3+$0xDC00] =	vst v0  }
.LBB2_2:
0x7d: {  	s11 =	sshra.s32 s8, $0x2;
	p2 =	sne.s32 s8, $0xFC0;
	s8 =	sadd.s32 $0x40, s8;
	v5 =	vshrl.u32 v3, $0x7;
	vm0 =	vgt.s32 v3, $0xF41FF  }
.Ltmp2:
0x7e: {  	[tilespmem:s3+$0xC00] =	vst v5;
	v5 =	vshrl.u32 v4, $0x7;
	v6 =	vsel vm0, $0x0, v3;
	v3 =	vld [tilespmem:s11+$0x0];
	v7 =	vsel vm0, $0x0, v1;
	(pc) =	sbr.rel @p2 .LBB2_2-.Ltmp2, $4  }
0x7f: {  	v4 =	vld [tilespmem:s11+$0x400];
	[tilespmem:s3+$0x1800] =	vst v7  }
0x80: {  	[tilespmem:s3+$0x1400] =	vst v6  }
0x81: {  	[tilespmem:s3+$0x1000] =	vst v5;
	s3 =	smov.u32 s11  }
0x82: {  	[tilespmem:s3+$0xDC00] =	vst v0  }
0x83: {  	v5 =	vshrl.u32 v3, $0x7;
	vm0 =	vgt.s32 v3, $0xF41FF  }
0x84: {  	[tilespmem:s3+$0xC00] =	vst v5;
	v63 =	vsel vm0, $0x0, v1  }
0x85: {  	v3 =	vsel vm0, $0x0, v3;
	[tilespmem:s3+$0x1800] =	vst v63  }
0x86: {  	v4 =	vshrl.u32 v4, $0x7;
	[tilespmem:s3+$0x1400] =	vst v3  }
0x87: {  	s31 =	simm.s32 $0x0;
	s12 =	simm.s32 $0x1C00;
	s13 =	simm.s32 $0x400;
	[tilespmem:s3+$0x1000] =	vst v4  }
.LBB2_4:
0x88: {  	s3 =	sshll.u32 s31, $0x7  }
0x89: {  	s3 =	sand.u32 $0x3FFFFF80, s3  }
0x8a: {  	s8 =	rddreg [dreg:$0x2];
	s3 =	sadd.s32 $0x800, s3  }
0x8b: {  	[tilespmem:s5], [sflag:$0x1] =	stream.indirect.gather [hbm4b:s8+s26], $0x80, s3, s26, $0xb8;
	[tilespmem:$0x1ECA0] =	vst v63  }
0x8c: {  	_ =	swait.ge [sflag:s1], $0x4000  }
0x8d: {  	[sflag:s1] =	ssyncset.done $0x0  }
0x8e: {  	s11 =	smov.u32 s12;
	s18 =	simm.s32 $0x0;
	[sflag:s1] =	ssyncadd.s32 $0xFFFFC000  }
.LBB2_5:
0x8f: {  	v3 =	vld [tilespmem:s13+$0x0];
	_ =	sdelay $0x3  }
0x90: {  	s3 =	simm.s32 $0x0  }
0x91: {  	s8 =	sadd.s32 s14, s18;
	v4 =	vmov s3;
	v5 =	vshll.u32 v3, $0x6  }
0x92: {  	v4 =	vshll.u32 v4, $0x7;
	v3 =	vmov s8;
	v5 =	vand.u32 $0x40, v5  }
0x93: {  	v4 =	vor.u32 v2, v4;
	v5 =	vor.u32 v5, v3  }
0x94: {  	v4 =	vadd.s32 v4, v5;
	_ =	sdelay $0x4  }
0x95: {  	v4 =	vld.idx.msk [tilespmem:v4+s5+$0x0], $0xffff;
	_ =	sdelay $0x4  }
0x96: {  	s8 =	sadd.s32 $0x10, s13;
	[tilespmem:s11+$0x0] =	vst v4  }
0x97: {  	s28 =	simm.s32 $0x10;
	s19 =	smov.u32 s11;
	s3 =	simm.s32 $0x20;
	v4 =	vld [tilespmem:s8+$0x0]  }
.LBB2_6:
0x98: {  	p2 =	sne.s32 s3, $0x70;
	_ =	sdelay $0x3  }
0x99: {  	v5 =	vmov s28;
	s28 =	smov.u32 s3;
	v4 =	vshll.u32 v4, $0x6  }
0x9a: {  	v5 =	vshll.u32 v5, $0x7;
	v4 =	vand.u32 $0x40, v4  }
0x9b: {  	v5 =	vor.u32 v2, v5;
	v4 =	vor.u32 v4, v3  }
0x9c: {  	v4 =	vadd.s32 v5, v4;
	_ =	sdelay $0x4  }
0x9d: {  	v4 =	vld.idx.msk [tilespmem:v4+s5+$0x0], $0xffff;
	_ =	sdelay $0x2  }
.Ltmp3:
0x9e: {  	(pc) =	sbr.rel @p2 .LBB2_6-.Ltmp3, $4  }
0x9f: {  	_ = 	snop  }
0xa0: {  	s19 =	sadd.s32 $0x10, s19  }
0xa1: {  	s8 =	sadd.s32 $0x10, s8;
	[tilespmem:s19+$0x0] =	vst v4  }
0xa2: {  	s3 =	sadd.s32 $0x10, s3;
	v4 =	vld [tilespmem:s8+$0x0]  }
0xa3: {  	_ =	sdelay $0x3  }
0xa4: {  	v5 =	vmov s28;
	v4 =	vshll.u32 v4, $0x6  }
0xa5: {  	v5 =	vshll.u32 v5, $0x7;
	v4 =	vand.u32 $0x40, v4  }
0xa6: {  	v63 =	vor.u32 v2, v5;
	v3 =	vor.u32 v4, v3  }
0xa7: {  	v3 =	vadd.s32 v63, v3;
	_ =	sdelay $0x3  }
0xa8: {  	s18 =	sadd.s32 $0x1, s18  }
0xa9: {  	p2 =	sne.s32 s18, $0x20;
	v3 =	vld.idx.msk [tilespmem:v3+s5+$0x0], $0xffff  }
.Ltmp4:
0xaa: {  	_ = 	snop;
	(pc) =	sbr.rel @p2 .LBB2_5-.Ltmp4, $3  }
0xab: {  	_ =	sdelay $0x1  }
0xac: {  	s3 =	sadd.s32 $0x10, s19  }
0xad: {  	s11 =	sadd.s32 $0x400, s11;
	[tilespmem:s3+$0x0] =	vst v3  }
0xae: {  	s31 =	sadd.s32 $0x1, s31  }
0xaf: {  	p2 =	sne.s32 s31, $0x8  }
.Ltmp5:
0xb0: {  	_ = 	snop;
	(pc) =	sbr.rel @p2 .LBB2_4-.Ltmp5, $2  }
0xb1: {  	_ =	sdelay $0x2  }
0xb2: {  	s12 =	sadd.s32 $0x80, s12;
	s13 =	sadd.s32 $0x80, s13;
	s11 =	simm.s32 $0x0  }
0xb3: {  	s31 =	simm.s32 $0x0  }
.LBB2_10:
0xb4: {  	s3 =	sor.u32 s14, s31  }
0xb5: {  	s3 =	sshrl.u32 s3, $0x3  }
0xb6: {  	s8 =	sshll.u32 s31, $0x7;
	s3 =	smul.u32 $0x7A1400, s3  }
0xb7: {  	s8 =	sand.u32 $0x380, s8  }
0xb8: {  	s12 =	stileid.u32;
	s3 =	sor.u32 s8, s3  }
0xb9: {  	s19 =	rddreg [dreg:$0x0];
	s8 =	sshll.u32 s12, $0x6;
	s3 =	sshrl.u32 s3, $0x3  }
0xba: {  	s8 =	sor.u32 $0x1C01, s8;
	s3 =	sadd.s32 s19, s3  }
0xbb: {  	s12 =	sadd.s32 s10, s3;
	s13 =	sadd.s32 s15, s3;
	s18 =	sadd.s32 s16, s3  }
0xbc: {  	[spmem:s21@s6], [sflag:s8] =	dma.strided [hbm:s12@s26], $0x7A0, s1, $0x10   }
0xbd: {  	s19 =	sadd.s32 s17, s3;
	s3 =	sadd.s32 @!p0 $0xF4000, s3;
	s12 =	simm.s32 @!p0 $0x10  }
0xbe: {  	[spmem:s22@s6], [sflag:s8] =	dma.strided [hbm:s13@s26], $0x7A0, s1, $0x10   }
0xbf: {  	[spmem:s23@s6], [sflag:s8] =	dma.strided [hbm:s18@s26], $0x7A0, s1, $0x10   }
0xc0: {  	[spmem:s24@s6], [sflag:s8] =	dma.strided [hbm:s19@s26], $0x7A0, s1, $0x10   }
0xc1: {  	s13 =	simm.s32 @!p0 $0x80;
	s18 =	simm.s32 @!p0 $0x1C02;
	s8 =	simm.s32 @!p0 $0x1  }
0xc2: {  	[spmem:s25@s12], [sflag:s18] =	dma.strided @!p0 [hbm:s3@s13], $0x40, s8, $0x10   }
0xc3: {  	s3 =	simm.s32 @!p0 $0x2  }
0xc4: {  	_ =	swait.ge @!p0 [sflag:s3], $0x40  }
0xc5: {  	[sflag:s3] =	ssyncset.done @!p0 $0x0  }
0xc6: {  	[sflag:s3] =	ssyncadd.s32 @!p0 $0xFFFFFFC0  }
0xc7: {  	_ =	swait.ge [sflag:s1], $0x7A0  }
0xc8: {  	[sflag:s1] =	ssyncset.done $0x0  }
0xc9: {  	[sflag:s1] =	ssyncadd.s32 $0xFFFFF860  }
0xca: {  	_ =	swait.ge [sflag:s1], $0x7A0  }
0xcb: {  	[sflag:s1] =	ssyncset.done $0x0  }
0xcc: {  	[sflag:s1] =	ssyncadd.s32 $0xFFFFF860  }
0xcd: {  	_ =	swait.ge [sflag:s1], $0x7A0  }
0xce: {  	[sflag:s1] =	ssyncset.done $0x0  }
0xcf: {  	[sflag:s1] =	ssyncadd.s32 $0xFFFFF860  }
0xd0: {  	_ =	swait.ge [sflag:s1], $0x7A0  }
0xd1: {  	[sflag:s1] =	ssyncset.done $0x0  }
0xd2: {  	[sflag:s1] =	ssyncadd.s32 $0xFFFFF860  }
0xd3: {  	s13 =	simm.s32 $0x1400;
	s3 =	simm.s32 $0xE000;
	[bflag:$0x0] =	sbarrier.arrive $0xFFFF  }
0xd4: {  	[tilespmem:s3], [sflag:$0x1] =	stream.indirect.gather [spmem:s7], $0x1, s13, s26, $0xb8;
	[tilespmem:$0x1ECA0] =	vst v63  }
0xd5: {  	s19 =	simm.s32 $0xE080;
	s18 =	simm.s32 $0x1480  }
0xd6: {  	[tilespmem:s19], [sflag:$0x1] =	stream.indirect.gather [spmem:s7], $0x1, s18, s26, $0xb8;
	[tilespmem:$0x1ECA0] =	vst v63  }
0xd7: {  	s12 =	simm.s32 $0x1500;
	s13 =	simm.s32 $0xE100  }
0xd8: {  	[tilespmem:s13], [sflag:$0x1] =	stream.indirect.gather [spmem:s7], $0x1, s12, s26, $0xb8;
	[tilespmem:$0x1ECA0] =	vst v63  }
0xd9: {  	s18 =	simm.s32 $0x1580;
	s19 =	simm.s32 $0xE180  }
0xda: {  	[tilespmem:s19], [sflag:$0x1] =	stream.indirect.gather [spmem:s7], $0x1, s18, s26, $0xb8;
	[tilespmem:$0x1ECA0] =	vst v63  }
0xdb: {  	s13 =	simm.s32 $0x1600;
	s18 =	simm.s32 $0xE200  }
0xdc: {  	[tilespmem:s18], [sflag:$0x1] =	stream.indirect.gather [spmem:s7], $0x1, s13, s26, $0xb8;
	[tilespmem:$0x1ECA0] =	vst v63  }
0xdd: {  	s19 =	simm.s32 $0x1680  }
0xde: {  	[tilespmem:s4], [sflag:$0x1] =	stream.indirect.gather [spmem:s7], $0x1, s19, s26, $0xb8;
	[tilespmem:$0x1ECA0] =	vst v63  }
0xdf: {  	_ = 	snop  }
0xe0: {  	[tilespmem:s0], [sflag:$0x1] =	stream.indirect.gather [spmem:s7], $0x1, s29, s26, $0xb8;
	[tilespmem:$0x1ECA0] =	vst v63  }
0xe1: {  	_ = 	snop  }
0xe2: {  	[tilespmem:s9], [sflag:$0x1] =	stream.indirect.gather [spmem:s7], $0x1, s2, s26, $0xb8;
	[tilespmem:$0x1ECA0] =	vst v63  }
0xe3: {  	_ =	swait.ge [sflag:s1], $0x80  }
0xe4: {  	[sflag:s1] =	ssyncset.done $0x0  }
0xe5: {  	[sflag:s1] =	ssyncadd.s32 $0xFFFFFF80  }
0xe6: {  	_ =	swait.ge [sflag:s1], $0x80  }
0xe7: {  	[sflag:s1] =	ssyncset.done $0x0  }
0xe8: {  	[sflag:s1] =	ssyncadd.s32 $0xFFFFFF80  }
0xe9: {  	_ =	swait.ge [sflag:s1], $0x80  }
0xea: {  	[sflag:s1] =	ssyncset.done $0x0  }
0xeb: {  	[sflag:s1] =	ssyncadd.s32 $0xFFFFFF80  }
0xec: {  	_ =	swait.ge [sflag:s1], $0x80  }
0xed: {  	[sflag:s1] =	ssyncset.done $0x0  }
0xee: {  	[sflag:s1] =	ssyncadd.s32 $0xFFFFFF80  }
0xef: {  	_ =	swait.ge [sflag:s1], $0x80  }
0xf0: {  	[sflag:s1] =	ssyncset.done $0x0  }
0xf1: {  	[sflag:s1] =	ssyncadd.s32 $0xFFFFFF80  }
0xf2: {  	_ =	swait.ge [sflag:s1], $0x80  }
0xf3: {  	[sflag:s1] =	ssyncset.done $0x0  }
0xf4: {  	[sflag:s1] =	ssyncadd.s32 $0xFFFFFF80  }
0xf5: {  	_ =	swait.ge [sflag:s1], $0x80  }
0xf6: {  	[sflag:s1] =	ssyncset.done $0x0  }
0xf7: {  	[sflag:s1] =	ssyncadd.s32 $0xFFFFFF80  }
0xf8: {  	_ =	swait.ge [sflag:s1], $0x80  }
0xf9: {  	s12 =	sshll.u32 s31, $0xA;
	[sflag:s1] =	ssyncset.done $0x0  }
0xfa: {  	s8 =	sand.u32 $0x3FFFFC00, s12;
	[sflag:s1] =	ssyncadd.s32 $0xFFFFFF80  }
0xfb: {  	s12 =	sadd.s32 $0x1C00, s8;
	s13 =	simm.s32 $0x1800;
	s18 =	sand.u32 $0x380, s11;
	v3 =	vld [tilespmem:s3+$0x0]  }
0xfc: {  	s19 =	sand.u32 $0x70, s11;
	v4 =	vld [tilespmem:s13+$0x0];
	s3 =	sadd.s32 s18, s12  }
0xfd: {  	s3 =	sadd.s32 s19, s3  }
0xfe: {  	v5 =	vld [tilespmem:s3+$0x0]  }
0xff: {  	s13 =	simm.s32 $0xDC00  }
0x100: {  	v6 =	vld [tilespmem:s13+$0x0]  }
0x101: {  	v3 =	vmul.f32 v4, v3;
	_ =	sdelay $0x1  }
0x102: {  	v3 =	vmul.f32 v5, v3;
	_ =	sdelay $0x1  }
0x103: {  	v3 =	vadd.f32 v3, v6;
	_ =	sdelay $0x1  }
0x104: {  	s8 =	simm.s32 $0xE010;
	s3 =	simm.s32 $0x10;
	[tilespmem:s13+$0x0] =	vst v3  }
0x105: {  	s18 =	simm.s32 $0x1810;
	s19 =	simm.s32 $0x20;
	s28 =	sand.u32 $0x380, s3;
	v3 =	vld [tilespmem:s8+$0x0]  }
.LBB2_11:
0x106: {  	p2 =	sne.s32 s19, $0x3F0;
	v4 =	vld [tilespmem:s18+$0x0];
	s3 =	sand.u32 $0x70, s3;
	s28 =	sadd.s32 s28, s12  }
0x107: {  	s28 =	sadd.s32 s3, s28;
	s3 =	smov.u32 s19  }
0x108: {  	v5 =	vld [tilespmem:s28+$0x0]  }
0x109: {  	s13 =	sadd.s32 $0x10, s13  }
0x10a: {  	v6 =	vld [tilespmem:s13+$0x0]  }
0x10b: {  	v3 =	vmul.f32 v4, v3;
	_ =	sdelay $0x1  }
0x10c: {  	v3 =	vmul.f32 v5, v3  }
.Ltmp6:
0x10d: {  	(pc) =	sbr.rel @p2 .LBB2_11-.Ltmp6, $3  }
0x10e: {  	v3 =	vadd.f32 v3, v6;
	_ =	sdelay $0x1  }
0x10f: {  	s8 =	sadd.s32 $0x10, s8;
	[tilespmem:s13+$0x0] =	vst v3  }
0x110: {  	s18 =	sadd.s32 $0x10, s18;
	s19 =	sadd.s32 $0x10, s19;
	s28 =	sand.u32 $0x380, s3;
	v3 =	vld [tilespmem:s8+$0x0]  }
0x111: {  	v4 =	vld [tilespmem:s18+$0x0];
	s3 =	sand.u32 $0x70, s3;
	s8 =	sadd.s32 s28, s12  }
0x112: {  	s3 =	sadd.s32 s3, s8  }
0x113: {  	v5 =	vld [tilespmem:s3+$0x0]  }
0x114: {  	s28 =	sadd.s32 $0x10, s13  }
0x115: {  	v6 =	vld [tilespmem:s28+$0x0]  }
0x116: {  	v3 =	vmul.f32 v4, v3;
	_ =	sdelay $0x1  }
0x117: {  	s31 =	sadd.s32 $0x1, s31;
	v3 =	vmul.f32 v5, v3  }
0x118: {  	p2 =	sne.s32 s31, $0x20  }
.Ltmp7:
0x119: {  	v3 =	vadd.f32 v3, v6;
	(pc) =	sbr.rel @p2 .LBB2_10-.Ltmp7, $3  }
0x11a: {  	_ = 	snop  }
0x11b: {  	[tilespmem:s28+$0x0] =	vst v3  }
0x11c: {  	[bflag:$0x0] =	sbarrier.arrive $0xFFFF;
	_ =	sdelay $0x1  }
0x11d: {  	s3 =	simm.s32 $0x0  }
0x11e: {  	s19 =	simm.s32 $0x10;
	v3 =	vld [tilespmem:s3+$0x1800]  }
0x11f: {  	v4 =	vld [tilespmem:s19+$0x1800];
	_ =	sdelay $0x3  }
0x120: {  	v3 =	vsub.f32 $1.000000000e+00, v3  }
0x121: {  	v4 =	vsub.f32 $1.000000000e+00, v4  }
0x122: {  	(xrf2) =	vadd.scan.msk.f32 $0xffff, v3  }
0x123: {  	(xrf2) =	vadd.scan.msk.f32 $0xffff, v4;
	_ =	sdelay $0x2  }
0x124: {  	s28 =	simm.s32 $0x20  }
0x125: {  	v3 =	vld [tilespmem:s28+$0x1800];
	_ =	sdelay $0x3  }
0x126: {  	s31 =	simm.s32 $0x30  }
0x127: {  	v4 =	vld [tilespmem:s31+$0x1800];
	v3 =	vsub.f32 $1.000000000e+00, v3;
	v5, _, _ =	vpop (xrf2)  }
0x128: {  	(v2sf) =	vpush v5, $0xF;
	v5, _, _ =	vpop (xrf2)  }
0x129: {  	(xrf2) =	vadd.scan.msk.f32 $0xffff, v3;
	(v2sf) =	vpush v5, $0xF;
	_ =	sdelay $0x2  }
0x12a: {  	v4 =	vsub.f32 $1.000000000e+00, v4  }
0x12b: {  	s11 =	simm.s32 $0x40  }
0x12c: {  	v3 =	vld [tilespmem:s11+$0x1800];
	(xrf2) =	vadd.scan.msk.f32 $0xffff, v4;
	_ =	sdelay $0x3  }
0x12d: {  	s8 =	simm.s32 $0x140;
	s3 =	simm.f32 $0.0e+00  }
.LBB2_14:
0x12e: {  	s11 =	sshra.s32 s8, $0x2;
	p2 =	sne.s32 s8, $0xFC0;
	s8 =	sadd.s32 $0x40, s8;
	v4 =	vsub.f32 $1.000000000e+00, v3;
	v5, _, _ =	vpop (xrf2)  }
.Ltmp8:
0x12f: {  	v3 =	vld [tilespmem:s11+$0x1800];
	(v2sf) =	vpush v5, $0xF;
	(pc) =	sbr.rel @p2 .LBB2_14-.Ltmp8, $3  }
0x130: {  	(xrf2) =	vadd.scan.msk.f32 $0xffff, v4;
	_ =	sdelay $0x1  }
0x131: {  	s11 =	spop (v2sf)  }
0x132: {  	s3 =	sadd.f32 s11, s3  }
0x133: {  	v3 =	vsub.f32 $1.000000000e+00, v3;
	_ =	sdelay $0x1  }
0x134: {  	(xrf2) =	vadd.scan.msk.f32 $0xffff, v3;
	_ =	sdelay $0x5  }
0x135: {  	v3, _, _ =	vpop (xrf2)  }
0x136: {  	(v2sf) =	vpush v3, $0xF  }
0x137: {  	v3, _, _ =	vpop (xrf2)  }
0x138: {  	(v2sf) =	vpush v3, $0xF  }
0x139: {  	v3, _, _ =	vpop (xrf2)  }
0x13a: {  	(v2sf) =	vpush v3, $0xF;
	_ =	sdelay $0x6  }
0x13b: {  	s8 =	spop (v2sf)  }
0x13c: {  	s3 =	sadd.f32 s8, s3  }
0x13d: {  	s12 =	spop (v2sf)  }
0x13e: {  	s3 =	sadd.f32 s12, s3  }
0x13f: {  	s13 =	spop (v2sf)  }
0x140: {  	s3 =	sadd.f32 s13, s3  }
0x141: {  	s18 =	spop (v2sf)  }
0x142: {  	s3 =	sadd.f32 s18, s3  }
0x143: {  	s19 =	spop (v2sf)  }
0x144: {  	s3 =	sadd.f32 s19, s3;
	_ =	sdelay $0x1  }
0x145: {  	s11 =	simm.s32 $0x0;
	p2 =	sgt.f32 s3, $0.0e+00  }
.Ltmp9:
0x146: {  	s28 =	rddreg [dreg:$0x1];
	s31 =	simm.s32 $0x2;
	(pc) =	sbr.rel @!p2 .LBB2_19-.Ltmp9, $4  }
0x147: {  	[tilespmem:s30], [sflag:$0x2] =	stream.linear.gather [hbm4b:s28+s11], $0x1000, $0x38;
	[tilespmem:$0x1ECA0] =	vst v63  }
0x148: {  	_ =	swait.ge [sflag:s31], $0x1000  }
0x149: {  	[sflag:s31] =	ssyncset.done $0x0  }
0x14a: {  	s12 =	simm.s32 $0x0;
	s13 =	simm.s32 $0x0;
	[sflag:s31] =	ssyncadd.s32 $0xFFFFF000  }
.LBB2_16:
0x14b: {  	s18 =	sshll.u32 s13, $0x4  }
0x14c: {  	v3 =	vld [tilespmem:s18+$0x0];
	_ =	sdelay $0x4  }
0x14d: {  	s3 =	sshll.u32 s12, $0x2;
	s8 =	sand.u32 $0x7, s11;
	v3 =	vadd.s32 $0xFFF0BE00, v3  }
0x14e: {  	s3 =	sand.u32 $0xFFFFFE00, s3;
	s8 =	sshll.u32 s8, $0x6;
	vm0 =	vgt.s32 v3, $0x0  }
0x14f: {  	s3 =	sor.u32 s8, s3;
	v4 =	vnsel vm0, $0x0, v3  }
0x150: {  	s3 =	sshrl.u32 s3, $0x2;
	v5 =	vadd.s32 s20, v4  }
0x151: {  	s3 =	sadd.s32 $0x1C00, s3  }
0x152: {  	v3 =	vmov s3  }
0x153: {  	v6 =	vld [tilespmem:s18+$0x1800];
	_ =	sdelay $0x1  }
0x154: {  	v7 =	vld.idx.msk [tilespmem:v5+s30+$0x0], $0xffff  }
0x155: {  	s31 =	simm.s32 $0x0  }
0x156: {  	v8 =	vld.idx.msk [tilespmem:v3+s31+$0x0 ss:$0x1], $0xffff  }
0x157: {  	v5 =	vsub.f32 $1.000000000e+00, v6  }
0x158: {  	v6 =	vld [tilespmem:s18+$0xDC00]  }
0x159: {  	v9 =	vmul.f32 v7, v5  }
0x15a: {  	s8 =	sadd.s32 $0x40, s20  }
0x15b: {  	s19 =	simm.s32 $0x2000;
	s3 =	simm.s32 $0x1000;
	v7 =	vadd.s32 s8, v4;
	v8 =	vmul.f32 v8, v9  }
.LBB2_17:
0x15c: {  	p2 =	sne.s32 s19, $0x1F000  }
0x15d: {  	v6 =	vadd.f32 v8, v6;
	_ =	sdelay $0x1  }
0x15e: {  	[tilespmem:s18+$0xDC00] =	vst v6  }
0x15f: {  	v7 =	vld.idx.msk [tilespmem:v7+s30+$0x0], $0xffff  }
0x160: {  	s28 =	sshra.s32 s3, $0x2;
	s3 =	smov.u32 s19  }
0x161: {  	v8 =	vld.idx.msk [tilespmem:v3+s28+$0x0 ss:$0x1], $0xffff;
	_ =	sdelay $0x1  }
.Ltmp10:
0x162: {  	(pc) =	sbr.rel @p2 .LBB2_17-.Ltmp10, $4  }
0x163: {  	v6 =	vld [tilespmem:s18+$0xDC00]  }
0x164: {  	v9 =	vmul.f32 v7, v5  }
0x165: {  	s8 =	sadd.s32 $0x40, s8  }
0x166: {  	s19 =	sadd.s32 $0x1000, s19;
	v7 =	vadd.s32 s8, v4;
	v8 =	vmul.f32 v8, v9  }
0x167: {  	_ = 	snop  }
0x168: {  	v4 =	vadd.f32 v8, v6;
	_ =	sdelay $0x1  }
0x169: {  	[tilespmem:s18+$0xDC00] =	vst v4  }
0x16a: {  	v4 =	vld.idx.msk [tilespmem:v7+s30+$0x0], $0xffff  }
0x16b: {  	s3 =	sshra.s32 s3, $0x2  }
0x16c: {  	v3 =	vld.idx.msk [tilespmem:v3+s3+$0x0 ss:$0x1], $0xffff;
	_ =	sdelay $0x1  }
0x16d: {  	v63 =	vld [tilespmem:s18+$0xDC00]  }
0x16e: {  	s13 =	sadd.s32 $0x1, s13;
	v4 =	vmul.f32 v4, v5  }
0x16f: {  	p2 =	sne.s32 s13, $0x40  }
.Ltmp11:
0x170: {  	v3 =	vmul.f32 v3, v4;
	(pc) =	sbr.rel @p2 .LBB2_16-.Ltmp11, $3  }
0x171: {  	_ = 	snop  }
0x172: {  	v3 =	vadd.f32 v3, v63;
	_ =	sdelay $0x1  }
0x173: {  	s12 =	sadd.s32 $0x10, s12;
	s11 =	sadd.s32 $0x1, s11;
	[tilespmem:s18+$0xDC00] =	vst v3  }
.LBB2_19:
.Ltmp12:
0x174: {  	(pc) =	sbr.rel @!p1 .LBB2_20-.Ltmp12, $4  }
0x175: {  	_ = 	snop  }
0x176: {  	s31 =	simm.s32 $0x0  }
0x177: {  	s11 =	simm.s32 $0xDC00;
	s12 =	simm.s32 $0x400;
	s13 =	simm.s32 $0x0  }
0x178: {  	s18 =	simm.s32 $0x0;
	s19 =	simm.s32 $0x0;
	s28 =	rddreg [dreg:$0x3]  }
.LBB2_26:
0x179: {  	s3 =	sshll.u32 s19, $0x7  }
0x17a: {  	s3 =	sand.u32 $0x3FFFFF80, s3  }
0x17b: {  	s8 =	rddreg [dreg:$0x4];
	s3 =	sadd.s32 $0x1000, s3  }
0x17c: {  	[tilespmem:s5], [sflag:$0x1] =	stream.indirect.gather [hbm4b:s8+s26], $0x80, s3, s26, $0xb8;
	[tilespmem:$0x1ECA0] =	vst v63  }
0x17d: {  	_ =	swait.ge [sflag:s1], $0x4000  }
0x17e: {  	[sflag:s1] =	ssyncset.done $0x0  }
0x17f: {  	[sflag:s1] =	ssyncadd.s32 $0xFFFFC000  }
0x180: {  	v3 =	vld [tilespmem:s12+$0x0];
	_ =	sdelay $0x2  }
0x181: {  	v4 =	vmov s31  }
0x182: {  	v4 =	vshll.u32 v4, $0x7  }
0x183: {  	v4 =	vor.u32 v2, v4;
	v3 =	vand.u32 $0x7F, v3  }
0x184: {  	v3 =	vor.u32 v4, v3;
	_ =	sdelay $0x3  }
0x185: {  	v4 =	vld [tilespmem:s11+$0x0]  }
0x186: {  	v3 =	vld.idx.msk [tilespmem:v3+s5+$0x0], $0xffff;
	_ =	sdelay $0x4  }
0x187: {  	v3 =	vadd.f32 v3, v4;
	_ =	sdelay $0x1  }
0x188: {  	s8 =	sadd.s32 $0x10, s12;
	[tilespmem:s11+$0x0] =	vst v3  }
0x189: {  	s18 =	simm.s32 $0x10;
	s13 =	smov.u32 s11;
	s3 =	simm.s32 $0x20;
	v3 =	vld [tilespmem:s8+$0x0]  }
.LBB2_27:
0x18a: {  	p2 =	sne.s32 s3, $0x70;
	_ =	sdelay $0x1  }
0x18b: {  	v4 =	vmov s18;
	s18 =	smov.u32 s3  }
0x18c: {  	v4 =	vshll.u32 v4, $0x7  }
0x18d: {  	v4 =	vor.u32 v2, v4;
	v3 =	vand.u32 $0x7F, v3  }
0x18e: {  	v3 =	vor.u32 v4, v3;
	_ =	sdelay $0x4  }
0x18f: {  	s13 =	sadd.s32 $0x10, s13;
	v3 =	vld.idx.msk [tilespmem:v3+s5+$0x0], $0xffff  }
0x190: {  	v4 =	vld [tilespmem:s13+$0x0];
	_ =	sdelay $0x3  }
.Ltmp13:
0x191: {  	(pc) =	sbr.rel @p2 .LBB2_27-.Ltmp13, $3  }
0x192: {  	v3 =	vadd.f32 v3, v4;
	_ =	sdelay $0x1  }
0x193: {  	s8 =	sadd.s32 $0x10, s8;
	[tilespmem:s13+$0x0] =	vst v3  }
0x194: {  	s3 =	sadd.s32 $0x10, s3;
	v3 =	vld [tilespmem:s8+$0x0]  }
0x195: {  	_ =	sdelay $0x1  }
0x196: {  	v4 =	vmov s18  }
0x197: {  	v4 =	vshll.u32 v4, $0x7  }
0x198: {  	v4 =	vor.u32 v2, v4;
	v3 =	vand.u32 $0x7F, v3  }
0x199: {  	v3 =	vor.u32 v4, v3;
	_ =	sdelay $0x2  }
0x19a: {  	s3 =	sadd.s32 $0x10, s13  }
0x19b: {  	v63 =	vld [tilespmem:s3+$0x0]  }
0x19c: {  	v3 =	vld.idx.msk [tilespmem:v3+s5+$0x0], $0xffff  }
0x19d: {  	s19 =	sadd.s32 $0x1, s19  }
0x19e: {  	p2 =	sne.s32 s19, $0x8  }
.Ltmp14:
0x19f: {  	_ = 	snop;
	(pc) =	sbr.rel @p2 .LBB2_26-.Ltmp14, $4  }
.Ltmp15:
0x1a0: {  	_ = 	snop;
	(pc) =	sbr.rel @!p2 .LBB2_29-.Ltmp15, $4  }
0x1a1: {  	v3 =	vadd.f32 v3, v63  }
0x1a2: {  	_ = 	snop  }
0x1a3: {  	s11 =	sadd.s32 $0x80, s11;
	s12 =	sadd.s32 $0x80, s12;
	[tilespmem:s3+$0x0] =	vst v3  }
0x1a4: {  	_ = 	snop  }
.LBB2_20:
0x1a5: {  	s3 =	sshll.u32 s18, $0x7  }
0x1a6: {  	s3 =	sand.u32 $0x3FFFFF80, s3  }
0x1a7: {  	s3 =	sadd.s32 $0xC00, s3  }
0x1a8: {  	[tilespmem:s5], [sflag:$0x1] =	stream.indirect.gather [hbm4b:s28+s26], $0x80, s3, s26, $0xb8;
	[tilespmem:$0x1ECA0] =	vst v63  }
0x1a9: {  	_ =	swait.ge [sflag:s1], $0x4000  }
0x1aa: {  	[sflag:s1] =	ssyncset.done $0x0  }
0x1ab: {  	[sflag:s1] =	ssyncadd.s32 $0xFFFFC000  }
0x1ac: {  	v3 =	vld [tilespmem:s13+$0x0];
	_ =	sdelay $0x2  }
0x1ad: {  	v4 =	vmov s31  }
0x1ae: {  	v4 =	vshll.u32 v4, $0x7  }
0x1af: {  	v4 =	vor.u32 v2, v4;
	v3 =	vand.u32 $0x7F, v3  }
0x1b0: {  	v3 =	vor.u32 v4, v3;
	_ =	sdelay $0x3  }
0x1b1: {  	v4 =	vld [tilespmem:s11+$0x0]  }
0x1b2: {  	v3 =	vld.idx.msk [tilespmem:v3+s5+$0x0], $0xffff;
	_ =	sdelay $0x4  }
0x1b3: {  	v3 =	vadd.f32 v3, v4;
	_ =	sdelay $0x1  }
0x1b4: {  	s8 =	sadd.s32 $0x10, s13;
	[tilespmem:s11+$0x0] =	vst v3  }
0x1b5: {  	s19 =	simm.s32 $0x10;
	s12 =	smov.u32 s11;
	s3 =	simm.s32 $0x20;
	v3 =	vld [tilespmem:s8+$0x0]  }
.LBB2_21:
0x1b6: {  	p2 =	sne.s32 s3, $0x70;
	_ =	sdelay $0x1  }
0x1b7: {  	v4 =	vmov s19;
	s19 =	smov.u32 s3  }
0x1b8: {  	v4 =	vshll.u32 v4, $0x7  }
0x1b9: {  	v4 =	vor.u32 v2, v4;
	v3 =	vand.u32 $0x7F, v3  }
0x1ba: {  	v3 =	vor.u32 v4, v3;
	_ =	sdelay $0x4  }
0x1bb: {  	s12 =	sadd.s32 $0x10, s12;
	v3 =	vld.idx.msk [tilespmem:v3+s5+$0x0], $0xffff  }
0x1bc: {  	v4 =	vld [tilespmem:s12+$0x0];
	_ =	sdelay $0x3  }
.Ltmp16:
0x1bd: {  	(pc) =	sbr.rel @p2 .LBB2_21-.Ltmp16, $3  }
0x1be: {  	v3 =	vadd.f32 v3, v4;
	_ =	sdelay $0x1  }
0x1bf: {  	s8 =	sadd.s32 $0x10, s8;
	[tilespmem:s12+$0x0] =	vst v3  }
0x1c0: {  	s3 =	sadd.s32 $0x10, s3;
	v3 =	vld [tilespmem:s8+$0x0]  }
0x1c1: {  	_ =	sdelay $0x1  }
0x1c2: {  	v4 =	vmov s19  }
0x1c3: {  	v4 =	vshll.u32 v4, $0x7  }
0x1c4: {  	v4 =	vor.u32 v2, v4;
	v3 =	vand.u32 $0x7F, v3  }
0x1c5: {  	v3 =	vor.u32 v4, v3;
	_ =	sdelay $0x2  }
0x1c6: {  	s3 =	sadd.s32 $0x10, s12  }
0x1c7: {  	v63 =	vld [tilespmem:s3+$0x0]  }
0x1c8: {  	v3 =	vld.idx.msk [tilespmem:v3+s5+$0x0], $0xffff  }
0x1c9: {  	s18 =	sadd.s32 $0x1, s18  }
0x1ca: {  	p2 =	sne.s32 s18, $0x8  }
.Ltmp17:
0x1cb: {  	_ = 	snop;
	(pc) =	sbr.rel @p2 .LBB2_20-.Ltmp17, $3  }
0x1cc: {  	_ = 	snop  }
0x1cd: {  	v3 =	vadd.f32 v3, v63;
	_ =	sdelay $0x1  }
0x1ce: {  	s11 =	sadd.s32 $0x80, s11;
	s13 =	sadd.s32 $0x80, s13;
	[tilespmem:s3+$0x0] =	vst v3  }
0x1cf: {  	v3 =	vld [tilespmem:$0xE400];
	s3 =	simm.s32 $0x0;
	s8 =	simm.s32 $0x40  }
.LBB2_24:
0x1d0: {  	p2 =	seq.s32 s8, $0xFC0;
	v4 =	vld [tilespmem:s3+$0xDC00];
	_ =	sdelay $0x2  }
.Ltmp18:
0x1d1: {  	(pc) =	sbr.rel @!p2 .LBB2_24-.Ltmp18, $3  }
0x1d2: {  	_ = 	snop  }
0x1d3: {  	v4 =	vadd.f32 v4, v3;
	_ =	sdelay $0x1  }
0x1d4: {  	[tilespmem:s3+$0xDC00] =	vst v4;
	s3 =	sshra.s32 s8, $0x2;
	s8 =	sadd.s32 $0x40, s8  }
0x1d5: {  	v4 =	vld [tilespmem:s3+$0xDC00];
	_ =	sdelay $0x2  }
.Ltmp19:
0x1d6: {  	_ = 	snop;
	(pc) =	sbr.rel .LBB2_29-.Ltmp19, $3  }
0x1d7: {  	_ = 	snop  }
0x1d8: {  	v3 =	vadd.f32 v4, v3;
	_ =	sdelay $0x1  }
0x1d9: {  	[tilespmem:s3+$0xDC00] =	vst v3  }
.LBB2_30:
0x1da: {  	_ =	sfence.sel $0x180000  }
0x1db: {  	[bflag:$0x0] =	sbarrier.arrive $0xFFFF  }
0x1dc: {  	_ =	strace $0x90000047  }
0x1dd: {  	[bflag:$0x2] =	sbarrier.arrive $0xFFFF  }
0x1de: {  	s0 =	rddreg [dreg:$0xb]  }
0x1df: {  	s0 =	sadd.s32 @!p0 $0x100000, s0  }
0x1e0: {  	[sflag:s0] =	ssyncadd.tile.s32 @!p0 $0x1;
	_ =	shalt  }
.Lfunc_end2:
_tile_overlayer_lowered:
.L_overlay_start_2:
0x1e1: {  	(tag) =	ssettag $0x2  }
0x1e2: {  	s0 =	rddreg [dreg:$0x0];
	s2 =	stileid.u32  }
0x1e3: {  	s1 =	rddreg [dreg:$0x1];
	p0 =	sne.s32 s2, $0x0  }
0x1e4: {  	s3 =	rddreg [dreg:$0x2];
	[bflag:$0x3] =	sbarrier.arrive $0xFFFF;
	s2 =	simm.s32 @!p0 $0x1C02  }
0x1e5: {  	[timem:s3], [sflag:s2] =	dma.local @!p0 [hbm:s0], s1  }
0x1e6: {  	s0 =	simm.s32 @!p0 $0x2  }
0x1e7: {  	_ =	swait.ge @!p0 [sflag:s0], s1  }
0x1e8: {  	s1 =	ssub.s32 @!p0 $0x0, s1;
	[sflag:s0] =	ssyncset.done @!p0 $0x0  }
0x1e9: {  	[sflag:s0] =	ssyncadd.s32 @!p0 s1  }
0x1ea: {  	[bflag:$0x3] =	sbarrier.arrive $0xFFFF  }
0x1eb: {  	_ =	shalt  }

</sc_bundles>
